<compile_context>
chip_gen: v7x
topology: tpu7x:2x2x1
jax: 0.10.2.dev20260603
libtpu: 0.0.44.dev20260713+nightly
codegen_flags: <defaults>
</compile_context>

<pallas_src>
import functools
import math

import jax
import jax.numpy as jnp
from jax import lax
from jax.experimental import pallas as pl
from jax.experimental.pallas import tpu as pltpu
from jax.experimental.pallas import tpu_sc as plsc

D_EMBED = 32
VOCAB = 1000000
BATCH = 16384
HIST = 20
SCALE = math.sqrt(D_EMBED)

NC, NS = 2, 16
NW = NC * NS
B = BATCH * HIST
IDX_ROWS = B // 128
ROWS_PER_W = IDX_ROWS // NW
CHUNK_ROWS = 8
CHUNK = CHUNK_ROWS * 128
NCHUNK = ROWS_PER_W // CHUNK_ROWS

CSTRIDE = 1 << 18
TCB = 8192
TGRID = CSTRIDE // TCB
LAST_BLK = (VOCAB - 1) // TCB


def _relayout_body(t0, t1, t2, t3, o_ref):
    for c, t in enumerate((t0, t1, t2, t3)):
        o_ref[:, c * D_EMBED:(c + 1) * D_EMBED] = t[...].T * SCALE


def _relayout(table_t):
    def imap(c):
        return lambda i: (0, jnp.minimum(c * TGRID + i, LAST_BLK))
    return pl.pallas_call(
        _relayout_body,
        grid=(TGRID,),
        in_specs=[pl.BlockSpec((D_EMBED, TCB), imap(c)) for c in range(4)],
        out_specs=pl.BlockSpec((TCB, 4 * D_EMBED), lambda i: (i, 0)),
        out_shape=jax.ShapeDtypeStruct((CSTRIDE, 4 * D_EMBED), jnp.float32),
    )(table_t, table_t, table_t, table_t)


def _gather_body(x_hbm, table_hbm, out_hbm, idx_v, rows0, rows1, sg0, sg1,
                 ss0, ss1):
    wid = lax.axis_index("s") * NC + lax.axis_index("c")
    row_base = wid * ROWS_PER_W
    out_base = wid * ROWS_PER_W * 128

    pltpu.sync_copy(x_hbm.at[pl.ds(row_base, ROWS_PER_W)], idx_v)

    def fire(g, buf, sem):
        for j in range(CHUNK_ROWS):
            pltpu.async_copy(
                table_hbm.at[idx_v.at[g * CHUNK_ROWS + j]],
                buf.at[pl.ds(j * 128, 128)],
                sem,
            )

    def drain_gathers(buf, sem):
        for j in range(CHUNK_ROWS):
            pltpu.make_async_copy(
                table_hbm.at[idx_v.at[j]],
                buf.at[pl.ds(j * 128, 128)],
                sem,
            ).wait()

    def out_at(g):
        return out_hbm.at[pl.ds(out_base + g * CHUNK, CHUNK)]

    def store(g, buf, sem):
        pltpu.async_copy(buf, out_at(g), sem)

    def drain_store(g, buf, sem):
        pltpu.make_async_copy(buf, out_at(g), sem).wait()

    fire(0, rows0, sg0)
    fire(1, rows1, sg1)

    @pl.loop(0, NCHUNK // 2 - 1)
    def _pair(i):
        g = 2 * i
        drain_gathers(rows0, sg0)
        store(g, rows0, ss0)
        drain_gathers(rows1, sg1)
        store(g + 1, rows1, ss1)
        drain_store(g, rows0, ss0)
        fire(g + 2, rows0, sg0)
        drain_store(g + 1, rows1, ss1)
        fire(g + 3, rows1, sg1)

    last = NCHUNK - 2
    drain_gathers(rows0, sg0)
    store(last, rows0, ss0)
    drain_gathers(rows1, sg1)
    store(last + 1, rows1, ss1)
    drain_store(last, rows0, ss0)
    drain_store(last + 1, rows1, ss1)


def _gather(x2d, table_lin):
    mesh = plsc.VectorSubcoreMesh(core_axis_name="c", subcore_axis_name="s")
    f = functools.partial(
        pl.kernel,
        out_type=jax.ShapeDtypeStruct((B, D_EMBED), jnp.float32),
        mesh=mesh,
        scratch_types=[
            pltpu.VMEM((ROWS_PER_W, 128), jnp.int32),
            pltpu.VMEM((CHUNK, D_EMBED), jnp.float32),
            pltpu.VMEM((CHUNK, D_EMBED), jnp.float32),
            pltpu.SemaphoreType.DMA,
            pltpu.SemaphoreType.DMA,
            pltpu.SemaphoreType.DMA,
            pltpu.SemaphoreType.DMA,
        ],
        compiler_params=pltpu.CompilerParams(use_tc_tiling_on_sc=False),
    )(_gather_body)
    return f(x2d, table_lin)


def kernel(x, table):
    t2 = _relayout(table.T)
    table_lin = t2.reshape(4 * CSTRIDE, D_EMBED)
    q = ((x & (CSTRIDE - 1)) << 2) | lax.shift_right_logical(x, 18)
    x2d = q.reshape(IDX_ROWS, 128)
    out = _gather(x2d, table_lin)
    return out.reshape(BATCH, HIST, D_EMBED)

# --- scband reference (transcript-rebuilt; emitter-appended) ---
"""Pipeline reference for scband-token-embedding-86440511799997 (READ-ONLY COPY).

The authoritative reference and input builder live on the scoring server;
editing this copy changes nothing except your own understanding.
"""

import jax, jax.numpy as jnp
import numpy as np
import math

D_EMBED = 32
VOCAB = 1000000
BATCH = 16384
HIST = 20

def setup_inputs(seed: int = 0) -> dict:
    key = jax.random.key(seed)
    k1, k2 = jax.random.split(key)
    x = jax.random.randint(k1, (BATCH, HIST), 0, VOCAB, dtype=jnp.int64 if jax.config.jax_enable_x64 else jnp.int32)
    table = jax.random.normal(k2, (VOCAB, D_EMBED), dtype=jnp.float32)
    return {"x": x, "table": table}

def reference(x, table):
    out = jnp.take(table, x, axis=0) * math.sqrt(D_EMBED)
    return out

if __name__ == "__main__":
    import jax
    _d = setup_inputs()
    print(jax.jit(kernel)(*tuple(_d.values())))

</pallas_src>

<mosaic_0001>
#map = affine_map<(d0, d1) -> (0, 0)>
module attributes {stable_mosaic.version = 14 : i64} {
  func.func @_gather_body(%arg0: i32, %arg1: i32, %arg2: memref<2560x128xi32, #tpu.memory_space<hbm>>, %arg3: memref<1048576x32xf32, #tpu.memory_space<hbm>>, %arg4: memref<327680x32xf32, #tpu.memory_space<hbm>>, %arg5: memref<80x128xi32, #tpu.memory_space<vmem>>, %arg6: memref<1024x32xf32, #tpu.memory_space<vmem>>, %arg7: memref<1024x32xf32, #tpu.memory_space<vmem>>, %arg8: memref<!tpu.dma_semaphore, #tpu.memory_space<semaphore_mem>>, %arg9: memref<!tpu.dma_semaphore, #tpu.memory_space<semaphore_mem>>, %arg10: memref<!tpu.dma_semaphore, #tpu.memory_space<semaphore_mem>>, %arg11: memref<!tpu.dma_semaphore, #tpu.memory_space<semaphore_mem>>) attributes {dimension_semantics = [#tpu.dimension_semantics<core_parallel>, #tpu.dimension_semantics<subcore_parallel>], iteration_bounds = array<i64: 2, 16>, scalar_prefetch = 0 : i64, scratch_operands = 7 : i64, tpu.core_type = #tpu.core_type<sc_vector_subcore>, window_params = [{transform_indices = #map}, {transform_indices = #map}, {transform_indices = #map}]} {
    %mul3A = arith.constant 2 : i32
    %mul3A_0 = arith.muli %arg1, %mul3A : i32
    %add3A = arith.addi %mul3A_0, %arg0 : i32
    %mul3A_1 = arith.constant 80 : i32
    %mul3A_2 = arith.muli %add3A, %mul3A_1 : i32
    %mul3A_3 = arith.constant 80 : i32
    %mul3A_4 = arith.muli %add3A, %mul3A_3 : i32
    %mul3A_5 = arith.constant 128 : i32
    %mul3A_6 = arith.muli %mul3A_4, %mul3A_5 : i32
    "tpu.region"() ({
      %run_scoped3A = tpu.sem_alloc : memref<!tpu.dma_semaphore, #tpu.memory_space<semaphore_mem>>
      %dma_start3A_353 = arith.constant 0 : i32
      %dma_start3A_354 = tpu.memref_slice %arg2[%mul3A_2, %dma_start3A_353] : memref<2560x128xi32, #tpu.memory_space<hbm>> -> memref<80x128xi32, #tpu.memory_space<hbm>>
      %dma_start3A_355 = arith.constant 0 : i32
      %dma_start3A_356 = tpu.memref_slice %arg2[%mul3A_2, %dma_start3A_355] : memref<2560x128xi32, #tpu.memory_space<hbm>> -> memref<80x128xi32, #tpu.memory_space<hbm>>
      tpu.enqueue_dma source(%dma_start3A_356 : memref<80x128xi32, #tpu.memory_space<hbm>>) target(%arg5 : memref<80x128xi32, #tpu.memory_space<vmem>>) target_semaphore(%run_scoped3A : memref<!tpu.dma_semaphore, #tpu.memory_space<semaphore_mem>>)
      %dma_wait3A_357 = arith.constant 0 : i32
      %dma_wait3A_358 = tpu.memref_slice %arg2[%mul3A_2, %dma_wait3A_357] : memref<2560x128xi32, #tpu.memory_space<hbm>> -> memref<80x128xi32, #tpu.memory_space<hbm>>
      %dma_wait3A_359 = arith.constant 0 : i32
      %dma_wait3A_360 = tpu.memref_slice %arg2[%mul3A_2, %dma_wait3A_359] : memref<2560x128xi32, #tpu.memory_space<hbm>> -> memref<80x128xi32, #tpu.memory_space<hbm>>
      tpu.wait_dma2 semaphore(%run_scoped3A : memref<!tpu.dma_semaphore, #tpu.memory_space<semaphore_mem>>) src(%dma_wait3A_360 : memref<80x128xi32, #tpu.memory_space<hbm>>) dst(%arg5 : memref<80x128xi32, #tpu.memory_space<vmem>>)
      tpu.yield
    }) : () -> ()
    %dma_start3A = arith.constant 0 : i32
    %dma_start3A_7 = arith.constant 0 : i32
    %dma_start3A_8 = arith.constant 0 : i32
    %dma_start3A_9 = tpu.memref_slice %arg6[%dma_start3A_7, %dma_start3A_8] : memref<1024x32xf32, #tpu.memory_space<vmem>> -> memref<128x32xf32, #tpu.memory_space<vmem>>
    %dma_start3A_10 = arith.constant 0 : i32
    %dma_start3A_11 = tpu.memref_slice %arg5[%dma_start3A, %dma_start3A_10] : memref<80x128xi32, #tpu.memory_space<vmem>> -> memref<1x128xi32, #tpu.memory_space<vmem>>
    %dma_start3A_12 = tpu.memref_squeeze %dma_start3A_11 : memref<1x128xi32, #tpu.memory_space<vmem>> -> memref<128xi32, #tpu.memory_space<vmem>>
    %dma_start3A_13 = arith.constant 0 : i32
    %dma_start3A_14 = arith.constant 0 : i32
    %dma_start3A_15 = tpu.memref_slice %arg3[%dma_start3A_13, %dma_start3A_14] : memref<1048576x32xf32, #tpu.memory_space<hbm>> -> memref<1048576x32xf32, #tpu.memory_space<hbm>>
    tpu.enqueue_indirect_dma source(%dma_start3A_15 : memref<1048576x32xf32, #tpu.memory_space<hbm>>) target(%dma_start3A_9 : memref<128x32xf32, #tpu.memory_space<vmem>>) offsets(%dma_start3A_12 : memref<128xi32, #tpu.memory_space<vmem>>) semaphore(%arg8 : memref<!tpu.dma_semaphore, #tpu.memory_space<semaphore_mem>>)
    %dma_start3A_16 = arith.constant 1 : i32
    %dma_start3A_17 = arith.constant 128 : i32
    %dma_start3A_18 = arith.constant 0 : i32
    %dma_start3A_19 = tpu.memref_slice %arg6[%dma_start3A_17, %dma_start3A_18] : memref<1024x32xf32, #tpu.memory_space<vmem>> -> memref<128x32xf32, #tpu.memory_space<vmem>>
    %dma_start3A_20 = arith.constant 0 : i32
    %dma_start3A_21 = tpu.memref_slice %arg5[%dma_start3A_16, %dma_start3A_20] : memref<80x128xi32, #tpu.memory_space<vmem>> -> memref<1x128xi32, #tpu.memory_space<vmem>>
    %dma_start3A_22 = tpu.memref_squeeze %dma_start3A_21 : memref<1x128xi32, #tpu.memory_space<vmem>> -> memref<128xi32, #tpu.memory_space<vmem>>
    %dma_start3A_23 = arith.constant 0 : i32
    %dma_start3A_24 = arith.constant 0 : i32
    %dma_start3A_25 = tpu.memref_slice %arg3[%dma_start3A_23, %dma_start3A_24] : memref<1048576x32xf32, #tpu.memory_space<hbm>> -> memref<1048576x32xf32, #tpu.memory_space<hbm>>
    tpu.enqueue_indirect_dma source(%dma_start3A_25 : memref<1048576x32xf32, #tpu.memory_space<hbm>>) target(%dma_start3A_19 : memref<128x32xf32, #tpu.memory_space<vmem>>) offsets(%dma_start3A_22 : memref<128xi32, #tpu.memory_space<vmem>>) semaphore(%arg8 : memref<!tpu.dma_semaphore, #tpu.memory_space<semaphore_mem>>)
    %dma_start3A_26 = arith.constant 2 : i32
    %dma_start3A_27 = arith.constant 256 : i32
    %dma_start3A_28 = arith.constant 0 : i32
    %dma_start3A_29 = tpu.memref_slice %arg6[%dma_start3A_27, %dma_start3A_28] : memref<1024x32xf32, #tpu.memory_space<vmem>> -> memref<128x32xf32, #tpu.memory_space<vmem>>
    %dma_start3A_30 = arith.constant 0 : i32
    %dma_start3A_31 = tpu.memref_slice %arg5[%dma_start3A_26, %dma_start3A_30] : memref<80x128xi32, #tpu.memory_space<vmem>> -> memref<1x128xi32, #tpu.memory_space<vmem>>
    %dma_start3A_32 = tpu.memref_squeeze %dma_start3A_31 : memref<1x128xi32, #tpu.memory_space<vmem>> -> memref<128xi32, #tpu.memory_space<vmem>>
    %dma_start3A_33 = arith.constant 0 : i32
    %dma_start3A_34 = arith.constant 0 : i32
    %dma_start3A_35 = tpu.memref_slice %arg3[%dma_start3A_33, %dma_start3A_34] : memref<1048576x32xf32, #tpu.memory_space<hbm>> -> memref<1048576x32xf32, #tpu.memory_space<hbm>>
    tpu.enqueue_indirect_dma source(%dma_start3A_35 : memref<1048576x32xf32, #tpu.memory_space<hbm>>) target(%dma_start3A_29 : memref<128x32xf32, #tpu.memory_space<vmem>>) offsets(%dma_start3A_32 : memref<128xi32, #tpu.memory_space<vmem>>) semaphore(%arg8 : memref<!tpu.dma_semaphore, #tpu.memory_space<semaphore_mem>>)
    %dma_start3A_36 = arith.constant 3 : i32
    %dma_start3A_37 = arith.constant 384 : i32
    %dma_start3A_38 = arith.constant 0 : i32
    %dma_start3A_39 = tpu.memref_slice %arg6[%dma_start3A_37, %dma_start3A_38] : memref<1024x32xf32, #tpu.memory_space<vmem>> -> memref<128x32xf32, #tpu.memory_space<vmem>>
    %dma_start3A_40 = arith.constant 0 : i32
    %dma_start3A_41 = tpu.memref_slice %arg5[%dma_start3A_36, %dma_start3A_40] : memref<80x128xi32, #tpu.memory_space<vmem>> -> memref<1x128xi32, #tpu.memory_space<vmem>>
    %dma_start3A_42 = tpu.memref_squeeze %dma_start3A_41 : memref<1x128xi32, #tpu.memory_space<vmem>> -> memref<128xi32, #tpu.memory_space<vmem>>
    %dma_start3A_43 = arith.constant 0 : i32
    %dma_start3A_44 = arith.constant 0 : i32
    %dma_start3A_45 = tpu.memref_slice %arg3[%dma_start3A_43, %dma_start3A_44] : memref<1048576x32xf32, #tpu.memory_space<hbm>> -> memref<1048576x32xf32, #tpu.memory_space<hbm>>
    tpu.enqueue_indirect_dma source(%dma_start3A_45 : memref<1048576x32xf32, #tpu.memory_space<hbm>>) target(%dma_start3A_39 : memref<128x32xf32, #tpu.memory_space<vmem>>) offsets(%dma_start3A_42 : memref<128xi32, #tpu.memory_space<vmem>>) semaphore(%arg8 : memref<!tpu.dma_semaphore, #tpu.memory_space<semaphore_mem>>)
    %dma_start3A_46 = arith.constant 4 : i32
    %dma_start3A_47 = arith.constant 512 : i32
    %dma_start3A_48 = arith.constant 0 : i32
    %dma_start3A_49 = tpu.memref_slice %arg6[%dma_start3A_47, %dma_start3A_48] : memref<1024x32xf32, #tpu.memory_space<vmem>> -> memref<128x32xf32, #tpu.memory_space<vmem>>
    %dma_start3A_50 = arith.constant 0 : i32
    %dma_start3A_51 = tpu.memref_slice %arg5[%dma_start3A_46, %dma_start3A_50] : memref<80x128xi32, #tpu.memory_space<vmem>> -> memref<1x128xi32, #tpu.memory_space<vmem>>
    %dma_start3A_52 = tpu.memref_squeeze %dma_start3A_51 : memref<1x128xi32, #tpu.memory_space<vmem>> -> memref<128xi32, #tpu.memory_space<vmem>>
    %dma_start3A_53 = arith.constant 0 : i32
    %dma_start3A_54 = arith.constant 0 : i32
    %dma_start3A_55 = tpu.memref_slice %arg3[%dma_start3A_53, %dma_start3A_54] : memref<1048576x32xf32, #tpu.memory_space<hbm>> -> memref<1048576x32xf32, #tpu.memory_space<hbm>>
    tpu.enqueue_indirect_dma source(%dma_start3A_55 : memref<1048576x32xf32, #tpu.memory_space<hbm>>) target(%dma_start3A_49 : memref<128x32xf32, #tpu.memory_space<vmem>>) offsets(%dma_start3A_52 : memref<128xi32, #tpu.memory_space<vmem>>) semaphore(%arg8 : memref<!tpu.dma_semaphore, #tpu.memory_space<semaphore_mem>>)
    %dma_start3A_56 = arith.constant 5 : i32
    %dma_start3A_57 = arith.constant 640 : i32
    %dma_start3A_58 = arith.constant 0 : i32
    %dma_start3A_59 = tpu.memref_slice %arg6[%dma_start3A_57, %dma_start3A_58] : memref<1024x32xf32, #tpu.memory_space<vmem>> -> memref<128x32xf32, #tpu.memory_space<vmem>>
    %dma_start3A_60 = arith.constant 0 : i32
    %dma_start3A_61 = tpu.memref_slice %arg5[%dma_start3A_56, %dma_start3A_60] : memref<80x128xi32, #tpu.memory_space<vmem>> -> memref<1x128xi32, #tpu.memory_space<vmem>>
    %dma_start3A_62 = tpu.memref_squeeze %dma_start3A_61 : memref<1x128xi32, #tpu.memory_space<vmem>> -> memref<128xi32, #tpu.memory_space<vmem>>
    %dma_start3A_63 = arith.constant 0 : i32
    %dma_start3A_64 = arith.constant 0 : i32
    %dma_start3A_65 = tpu.memref_slice %arg3[%dma_start3A_63, %dma_start3A_64] : memref<1048576x32xf32, #tpu.memory_space<hbm>> -> memref<1048576x32xf32, #tpu.memory_space<hbm>>
    tpu.enqueue_indirect_dma source(%dma_start3A_65 : memref<1048576x32xf32, #tpu.memory_space<hbm>>) target(%dma_start3A_59 : memref<128x32xf32, #tpu.memory_space<vmem>>) offsets(%dma_start3A_62 : memref<128xi32, #tpu.memory_space<vmem>>) semaphore(%arg8 : memref<!tpu.dma_semaphore, #tpu.memory_space<semaphore_mem>>)
    %dma_start3A_66 = arith.constant 6 : i32
    %dma_start3A_67 = arith.constant 768 : i32
    %dma_start3A_68 = arith.constant 0 : i32
    %dma_start3A_69 = tpu.memref_slice %arg6[%dma_start3A_67, %dma_start3A_68] : memref<1024x32xf32, #tpu.memory_space<vmem>> -> memref<128x32xf32, #tpu.memory_space<vmem>>
    %dma_start3A_70 = arith.constant 0 : i32
    %dma_start3A_71 = tpu.memref_slice %arg5[%dma_start3A_66, %dma_start3A_70] : memref<80x128xi32, #tpu.memory_space<vmem>> -> memref<1x128xi32, #tpu.memory_space<vmem>>
    %dma_start3A_72 = tpu.memref_squeeze %dma_start3A_71 : memref<1x128xi32, #tpu.memory_space<vmem>> -> memref<128xi32, #tpu.memory_space<vmem>>
    %dma_start3A_73 = arith.constant 0 : i32
    %dma_start3A_74 = arith.constant 0 : i32
    %dma_start3A_75 = tpu.memref_slice %arg3[%dma_start3A_73, %dma_start3A_74] : memref<1048576x32xf32, #tpu.memory_space<hbm>> -> memref<1048576x32xf32, #tpu.memory_space<hbm>>
    tpu.enqueue_indirect_dma source(%dma_start3A_75 : memref<1048576x32xf32, #tpu.memory_space<hbm>>) target(%dma_start3A_69 : memref<128x32xf32, #tpu.memory_space<vmem>>) offsets(%dma_start3A_72 : memref<128xi32, #tpu.memory_space<vmem>>) semaphore(%arg8 : memref<!tpu.dma_semaphore, #tpu.memory_space<semaphore_mem>>)
    %dma_start3A_76 = arith.constant 7 : i32
    %dma_start3A_77 = arith.constant 896 : i32
    %dma_start3A_78 = arith.constant 0 : i32
    %dma_start3A_79 = tpu.memref_slice %arg6[%dma_start3A_77, %dma_start3A_78] : memref<1024x32xf32, #tpu.memory_space<vmem>> -> memref<128x32xf32, #tpu.memory_space<vmem>>
    %dma_start3A_80 = arith.constant 0 : i32
    %dma_start3A_81 = tpu.memref_slice %arg5[%dma_start3A_76, %dma_start3A_80] : memref<80x128xi32, #tpu.memory_space<vmem>> -> memref<1x128xi32, #tpu.memory_space<vmem>>
    %dma_start3A_82 = tpu.memref_squeeze %dma_start3A_81 : memref<1x128xi32, #tpu.memory_space<vmem>> -> memref<128xi32, #tpu.memory_space<vmem>>
    %dma_start3A_83 = arith.constant 0 : i32
    %dma_start3A_84 = arith.constant 0 : i32
    %dma_start3A_85 = tpu.memref_slice %arg3[%dma_start3A_83, %dma_start3A_84] : memref<1048576x32xf32, #tpu.memory_space<hbm>> -> memref<1048576x32xf32, #tpu.memory_space<hbm>>
    tpu.enqueue_indirect_dma source(%dma_start3A_85 : memref<1048576x32xf32, #tpu.memory_space<hbm>>) target(%dma_start3A_79 : memref<128x32xf32, #tpu.memory_space<vmem>>) offsets(%dma_start3A_82 : memref<128xi32, #tpu.memory_space<vmem>>) semaphore(%arg8 : memref<!tpu.dma_semaphore, #tpu.memory_space<semaphore_mem>>)
    %dma_start3A_86 = arith.constant 8 : i32
    %dma_start3A_87 = arith.constant 0 : i32
    %dma_start3A_88 = arith.constant 0 : i32
    %dma_start3A_89 = tpu.memref_slice %arg7[%dma_start3A_87, %dma_start3A_88] : memref<1024x32xf32, #tpu.memory_space<vmem>> -> memref<128x32xf32, #tpu.memory_space<vmem>>
    %dma_start3A_90 = arith.constant 0 : i32
    %dma_start3A_91 = tpu.memref_slice %arg5[%dma_start3A_86, %dma_start3A_90] : memref<80x128xi32, #tpu.memory_space<vmem>> -> memref<1x128xi32, #tpu.memory_space<vmem>>
    %dma_start3A_92 = tpu.memref_squeeze %dma_start3A_91 : memref<1x128xi32, #tpu.memory_space<vmem>> -> memref<128xi32, #tpu.memory_space<vmem>>
    %dma_start3A_93 = arith.constant 0 : i32
    %dma_start3A_94 = arith.constant 0 : i32
    %dma_start3A_95 = tpu.memref_slice %arg3[%dma_start3A_93, %dma_start3A_94] : memref<1048576x32xf32, #tpu.memory_space<hbm>> -> memref<1048576x32xf32, #tpu.memory_space<hbm>>
    tpu.enqueue_indirect_dma source(%dma_start3A_95 : memref<1048576x32xf32, #tpu.memory_space<hbm>>) target(%dma_start3A_89 : memref<128x32xf32, #tpu.memory_space<vmem>>) offsets(%dma_start3A_92 : memref<128xi32, #tpu.memory_space<vmem>>) semaphore(%arg9 : memref<!tpu.dma_semaphore, #tpu.memory_space<semaphore_mem>>)
    %dma_start3A_96 = arith.constant 9 : i32
    %dma_start3A_97 = arith.constant 128 : i32
    %dma_start3A_98 = arith.constant 0 : i32
    %dma_start3A_99 = tpu.memref_slice %arg7[%dma_start3A_97, %dma_start3A_98] : memref<1024x32xf32, #tpu.memory_space<vmem>> -> memref<128x32xf32, #tpu.memory_space<vmem>>
    %dma_start3A_100 = arith.constant 0 : i32
    %dma_start3A_101 = tpu.memref_slice %arg5[%dma_start3A_96, %dma_start3A_100] : memref<80x128xi32, #tpu.memory_space<vmem>> -> memref<1x128xi32, #tpu.memory_space<vmem>>
    %dma_start3A_102 = tpu.memref_squeeze %dma_start3A_101 : memref<1x128xi32, #tpu.memory_space<vmem>> -> memref<128xi32, #tpu.memory_space<vmem>>
    %dma_start3A_103 = arith.constant 0 : i32
    %dma_start3A_104 = arith.constant 0 : i32
    %dma_start3A_105 = tpu.memref_slice %arg3[%dma_start3A_103, %dma_start3A_104] : memref<1048576x32xf32, #tpu.memory_space<hbm>> -> memref<1048576x32xf32, #tpu.memory_space<hbm>>
    tpu.enqueue_indirect_dma source(%dma_start3A_105 : memref<1048576x32xf32, #tpu.memory_space<hbm>>) target(%dma_start3A_99 : memref<128x32xf32, #tpu.memory_space<vmem>>) offsets(%dma_start3A_102 : memref<128xi32, #tpu.memory_space<vmem>>) semaphore(%arg9 : memref<!tpu.dma_semaphore, #tpu.memory_space<semaphore_mem>>)
    %dma_start3A_106 = arith.constant 10 : i32
    %dma_start3A_107 = arith.constant 256 : i32
    %dma_start3A_108 = arith.constant 0 : i32
    %dma_start3A_109 = tpu.memref_slice %arg7[%dma_start3A_107, %dma_start3A_108] : memref<1024x32xf32, #tpu.memory_space<vmem>> -> memref<128x32xf32, #tpu.memory_space<vmem>>
    %dma_start3A_110 = arith.constant 0 : i32
    %dma_start3A_111 = tpu.memref_slice %arg5[%dma_start3A_106, %dma_start3A_110] : memref<80x128xi32, #tpu.memory_space<vmem>> -> memref<1x128xi32, #tpu.memory_space<vmem>>
    %dma_start3A_112 = tpu.memref_squeeze %dma_start3A_111 : memref<1x128xi32, #tpu.memory_space<vmem>> -> memref<128xi32, #tpu.memory_space<vmem>>
    %dma_start3A_113 = arith.constant 0 : i32
    %dma_start3A_114 = arith.constant 0 : i32
    %dma_start3A_115 = tpu.memref_slice %arg3[%dma_start3A_113, %dma_start3A_114] : memref<1048576x32xf32, #tpu.memory_space<hbm>> -> memref<1048576x32xf32, #tpu.memory_space<hbm>>
    tpu.enqueue_indirect_dma source(%dma_start3A_115 : memref<1048576x32xf32, #tpu.memory_space<hbm>>) target(%dma_start3A_109 : memref<128x32xf32, #tpu.memory_space<vmem>>) offsets(%dma_start3A_112 : memref<128xi32, #tpu.memory_space<vmem>>) semaphore(%arg9 : memref<!tpu.dma_semaphore, #tpu.memory_space<semaphore_mem>>)
    %dma_start3A_116 = arith.constant 11 : i32
    %dma_start3A_117 = arith.constant 384 : i32
    %dma_start3A_118 = arith.constant 0 : i32
    %dma_start3A_119 = tpu.memref_slice %arg7[%dma_start3A_117, %dma_start3A_118] : memref<1024x32xf32, #tpu.memory_space<vmem>> -> memref<128x32xf32, #tpu.memory_space<vmem>>
    %dma_start3A_120 = arith.constant 0 : i32
    %dma_start3A_121 = tpu.memref_slice %arg5[%dma_start3A_116, %dma_start3A_120] : memref<80x128xi32, #tpu.memory_space<vmem>> -> memref<1x128xi32, #tpu.memory_space<vmem>>
    %dma_start3A_122 = tpu.memref_squeeze %dma_start3A_121 : memref<1x128xi32, #tpu.memory_space<vmem>> -> memref<128xi32, #tpu.memory_space<vmem>>
    %dma_start3A_123 = arith.constant 0 : i32
    %dma_start3A_124 = arith.constant 0 : i32
    %dma_start3A_125 = tpu.memref_slice %arg3[%dma_start3A_123, %dma_start3A_124] : memref<1048576x32xf32, #tpu.memory_space<hbm>> -> memref<1048576x32xf32, #tpu.memory_space<hbm>>
    tpu.enqueue_indirect_dma source(%dma_start3A_125 : memref<1048576x32xf32, #tpu.memory_space<hbm>>) target(%dma_start3A_119 : memref<128x32xf32, #tpu.memory_space<vmem>>) offsets(%dma_start3A_122 : memref<128xi32, #tpu.memory_space<vmem>>) semaphore(%arg9 : memref<!tpu.dma_semaphore, #tpu.memory_space<semaphore_mem>>)
    %dma_start3A_126 = arith.constant 12 : i32
    %dma_start3A_127 = arith.constant 512 : i32
    %dma_start3A_128 = arith.constant 0 : i32
    %dma_start3A_129 = tpu.memref_slice %arg7[%dma_start3A_127, %dma_start3A_128] : memref<1024x32xf32, #tpu.memory_space<vmem>> -> memref<128x32xf32, #tpu.memory_space<vmem>>
    %dma_start3A_130 = arith.constant 0 : i32
    %dma_start3A_131 = tpu.memref_slice %arg5[%dma_start3A_126, %dma_start3A_130] : memref<80x128xi32, #tpu.memory_space<vmem>> -> memref<1x128xi32, #tpu.memory_space<vmem>>
    %dma_start3A_132 = tpu.memref_squeeze %dma_start3A_131 : memref<1x128xi32, #tpu.memory_space<vmem>> -> memref<128xi32, #tpu.memory_space<vmem>>
    %dma_start3A_133 = arith.constant 0 : i32
    %dma_start3A_134 = arith.constant 0 : i32
    %dma_start3A_135 = tpu.memref_slice %arg3[%dma_start3A_133, %dma_start3A_134] : memref<1048576x32xf32, #tpu.memory_space<hbm>> -> memref<1048576x32xf32, #tpu.memory_space<hbm>>
    tpu.enqueue_indirect_dma source(%dma_start3A_135 : memref<1048576x32xf32, #tpu.memory_space<hbm>>) target(%dma_start3A_129 : memref<128x32xf32, #tpu.memory_space<vmem>>) offsets(%dma_start3A_132 : memref<128xi32, #tpu.memory_space<vmem>>) semaphore(%arg9 : memref<!tpu.dma_semaphore, #tpu.memory_space<semaphore_mem>>)
    %dma_start3A_136 = arith.constant 13 : i32
    %dma_start3A_137 = arith.constant 640 : i32
    %dma_start3A_138 = arith.constant 0 : i32
    %dma_start3A_139 = tpu.memref_slice %arg7[%dma_start3A_137, %dma_start3A_138] : memref<1024x32xf32, #tpu.memory_space<vmem>> -> memref<128x32xf32, #tpu.memory_space<vmem>>
    %dma_start3A_140 = arith.constant 0 : i32
    %dma_start3A_141 = tpu.memref_slice %arg5[%dma_start3A_136, %dma_start3A_140] : memref<80x128xi32, #tpu.memory_space<vmem>> -> memref<1x128xi32, #tpu.memory_space<vmem>>
    %dma_start3A_142 = tpu.memref_squeeze %dma_start3A_141 : memref<1x128xi32, #tpu.memory_space<vmem>> -> memref<128xi32, #tpu.memory_space<vmem>>
    %dma_start3A_143 = arith.constant 0 : i32
    %dma_start3A_144 = arith.constant 0 : i32
    %dma_start3A_145 = tpu.memref_slice %arg3[%dma_start3A_143, %dma_start3A_144] : memref<1048576x32xf32, #tpu.memory_space<hbm>> -> memref<1048576x32xf32, #tpu.memory_space<hbm>>
    tpu.enqueue_indirect_dma source(%dma_start3A_145 : memref<1048576x32xf32, #tpu.memory_space<hbm>>) target(%dma_start3A_139 : memref<128x32xf32, #tpu.memory_space<vmem>>) offsets(%dma_start3A_142 : memref<128xi32, #tpu.memory_space<vmem>>) semaphore(%arg9 : memref<!tpu.dma_semaphore, #tpu.memory_space<semaphore_mem>>)
    %dma_start3A_146 = arith.constant 14 : i32
    %dma_start3A_147 = arith.constant 768 : i32
    %dma_start3A_148 = arith.constant 0 : i32
    %dma_start3A_149 = tpu.memref_slice %arg7[%dma_start3A_147, %dma_start3A_148] : memref<1024x32xf32, #tpu.memory_space<vmem>> -> memref<128x32xf32, #tpu.memory_space<vmem>>
    %dma_start3A_150 = arith.constant 0 : i32
    %dma_start3A_151 = tpu.memref_slice %arg5[%dma_start3A_146, %dma_start3A_150] : memref<80x128xi32, #tpu.memory_space<vmem>> -> memref<1x128xi32, #tpu.memory_space<vmem>>
    %dma_start3A_152 = tpu.memref_squeeze %dma_start3A_151 : memref<1x128xi32, #tpu.memory_space<vmem>> -> memref<128xi32, #tpu.memory_space<vmem>>
    %dma_start3A_153 = arith.constant 0 : i32
    %dma_start3A_154 = arith.constant 0 : i32
    %dma_start3A_155 = tpu.memref_slice %arg3[%dma_start3A_153, %dma_start3A_154] : memref<1048576x32xf32, #tpu.memory_space<hbm>> -> memref<1048576x32xf32, #tpu.memory_space<hbm>>
    tpu.enqueue_indirect_dma source(%dma_start3A_155 : memref<1048576x32xf32, #tpu.memory_space<hbm>>) target(%dma_start3A_149 : memref<128x32xf32, #tpu.memory_space<vmem>>) offsets(%dma_start3A_152 : memref<128xi32, #tpu.memory_space<vmem>>) semaphore(%arg9 : memref<!tpu.dma_semaphore, #tpu.memory_space<semaphore_mem>>)
    %dma_start3A_156 = arith.constant 15 : i32
    %dma_start3A_157 = arith.constant 896 : i32
    %dma_start3A_158 = arith.constant 0 : i32
    %dma_start3A_159 = tpu.memref_slice %arg7[%dma_start3A_157, %dma_start3A_158] : memref<1024x32xf32, #tpu.memory_space<vmem>> -> memref<128x32xf32, #tpu.memory_space<vmem>>
    %dma_start3A_160 = arith.constant 0 : i32
    %dma_start3A_161 = tpu.memref_slice %arg5[%dma_start3A_156, %dma_start3A_160] : memref<80x128xi32, #tpu.memory_space<vmem>> -> memref<1x128xi32, #tpu.memory_space<vmem>>
    %dma_start3A_162 = tpu.memref_squeeze %dma_start3A_161 : memref<1x128xi32, #tpu.memory_space<vmem>> -> memref<128xi32, #tpu.memory_space<vmem>>
    %dma_start3A_163 = arith.constant 0 : i32
    %dma_start3A_164 = arith.constant 0 : i32
    %dma_start3A_165 = tpu.memref_slice %arg3[%dma_start3A_163, %dma_start3A_164] : memref<1048576x32xf32, #tpu.memory_space<hbm>> -> memref<1048576x32xf32, #tpu.memory_space<hbm>>
    tpu.enqueue_indirect_dma source(%dma_start3A_165 : memref<1048576x32xf32, #tpu.memory_space<hbm>>) target(%dma_start3A_159 : memref<128x32xf32, #tpu.memory_space<vmem>>) offsets(%dma_start3A_162 : memref<128xi32, #tpu.memory_space<vmem>>) semaphore(%arg9 : memref<!tpu.dma_semaphore, #tpu.memory_space<semaphore_mem>>)
    %scan3A = arith.constant 0 : i32
    %scan3A_166 = arith.constant 4 : i32
    %scan3A_167 = arith.addi %scan3A, %scan3A_166 : i32
    %scan3A_168 = arith.constant 1 : i32
    scf.for %scan3A_353 = %scan3A to %scan3A_167 step %scan3A_168  : i32 {
      %mul3A_354 = arith.constant 1 : i32
      %mul3A_355 = arith.muli %scan3A_353, %mul3A_354 : i32
      %add3A_356 = arith.constant 0 : i32
      %add3A_357 = arith.addi %add3A_356, %mul3A_355 : i32
      %mul3A_358 = arith.constant 2 : i32
      %mul3A_359 = arith.muli %mul3A_358, %add3A_357 : i32
      %dma_wait3A_360 = arith.constant 0 : i32
      %dma_wait3A_361 = arith.constant 0 : i32
      %dma_wait3A_362 = arith.constant 0 : i32
      %dma_wait3A_363 = tpu.memref_slice %arg6[%dma_wait3A_361, %dma_wait3A_362] : memref<1024x32xf32, #tpu.memory_space<vmem>> -> memref<128x32xf32, #tpu.memory_space<vmem>>
      %dma_wait3A_364 = arith.constant 0 : i32
      %dma_wait3A_365 = tpu.memref_slice %arg5[%dma_wait3A_360, %dma_wait3A_364] : memref<80x128xi32, #tpu.memory_space<vmem>> -> memref<1x128xi32, #tpu.memory_space<vmem>>
      %dma_wait3A_366 = tpu.memref_squeeze %dma_wait3A_365 : memref<1x128xi32, #tpu.memory_space<vmem>> -> memref<128xi32, #tpu.memory_space<vmem>>
      %dma_wait3A_367 = arith.constant 0 : i32
      %dma_wait3A_368 = arith.constant 0 : i32
      %dma_wait3A_369 = tpu.memref_slice %arg3[%dma_wait3A_367, %dma_wait3A_368] : memref<1048576x32xf32, #tpu.memory_space<hbm>> -> memref<1048576x32xf32, #tpu.memory_space<hbm>>
      tpu.wait_indirect_dma semaphore(%arg8 : memref<!tpu.dma_semaphore, #tpu.memory_space<semaphore_mem>>) src(%dma_wait3A_369 : memref<1048576x32xf32, #tpu.memory_space<hbm>>) dst(%dma_wait3A_363 : memref<128x32xf32, #tpu.memory_space<vmem>>)
      %dma_wait3A_370 = arith.constant 1 : i32
      %dma_wait3A_371 = arith.constant 128 : i32
      %dma_wait3A_372 = arith.constant 0 : i32
      %dma_wait3A_373 = tpu.memref_slice %arg6[%dma_wait3A_371, %dma_wait3A_372] : memref<1024x32xf32, #tpu.memory_space<vmem>> -> memref<128x32xf32, #tpu.memory_space<vmem>>
      %dma_wait3A_374 = arith.constant 0 : i32
      %dma_wait3A_375 = tpu.memref_slice %arg5[%dma_wait3A_370, %dma_wait3A_374] : memref<80x128xi32, #tpu.memory_space<vmem>> -> memref<1x128xi32, #tpu.memory_space<vmem>>
      %dma_wait3A_376 = tpu.memref_squeeze %dma_wait3A_375 : memref<1x128xi32, #tpu.memory_space<vmem>> -> memref<128xi32, #tpu.memory_space<vmem>>
      %dma_wait3A_377 = arith.constant 0 : i32
      %dma_wait3A_378 = arith.constant 0 : i32
      %dma_wait3A_379 = tpu.memref_slice %arg3[%dma_wait3A_377, %dma_wait3A_378] : memref<1048576x32xf32, #tpu.memory_space<hbm>> -> memref<1048576x32xf32, #tpu.memory_space<hbm>>
      tpu.wait_indirect_dma semaphore(%arg8 : memref<!tpu.dma_semaphore, #tpu.memory_space<semaphore_mem>>) src(%dma_wait3A_379 : memref<1048576x32xf32, #tpu.memory_space<hbm>>) dst(%dma_wait3A_373 : memref<128x32xf32, #tpu.memory_space<vmem>>)
      %dma_wait3A_380 = arith.constant 2 : i32
      %dma_wait3A_381 = arith.constant 256 : i32
      %dma_wait3A_382 = arith.constant 0 : i32
      %dma_wait3A_383 = tpu.memref_slice %arg6[%dma_wait3A_381, %dma_wait3A_382] : memref<1024x32xf32, #tpu.memory_space<vmem>> -> memref<128x32xf32, #tpu.memory_space<vmem>>
      %dma_wait3A_384 = arith.constant 0 : i32
      %dma_wait3A_385 = tpu.memref_slice %arg5[%dma_wait3A_380, %dma_wait3A_384] : memref<80x128xi32, #tpu.memory_space<vmem>> -> memref<1x128xi32, #tpu.memory_space<vmem>>
      %dma_wait3A_386 = tpu.memref_squeeze %dma_wait3A_385 : memref<1x128xi32, #tpu.memory_space<vmem>> -> memref<128xi32, #tpu.memory_space<vmem>>
      %dma_wait3A_387 = arith.constant 0 : i32
      %dma_wait3A_388 = arith.constant 0 : i32
      %dma_wait3A_389 = tpu.memref_slice %arg3[%dma_wait3A_387, %dma_wait3A_388] : memref<1048576x32xf32, #tpu.memory_space<hbm>> -> memref<1048576x32xf32, #tpu.memory_space<hbm>>
      tpu.wait_indirect_dma semaphore(%arg8 : memref<!tpu.dma_semaphore, #tpu.memory_space<semaphore_mem>>) src(%dma_wait3A_389 : memref<1048576x32xf32, #tpu.memory_space<hbm>>) dst(%dma_wait3A_383 : memref<128x32xf32, #tpu.memory_space<vmem>>)
      %dma_wait3A_390 = arith.constant 3 : i32
      %dma_wait3A_391 = arith.constant 384 : i32
      %dma_wait3A_392 = arith.constant 0 : i32
      %dma_wait3A_393 = tpu.memref_slice %arg6[%dma_wait3A_391, %dma_wait3A_392] : memref<1024x32xf32, #tpu.memory_space<vmem>> -> memref<128x32xf32, #tpu.memory_space<vmem>>
      %dma_wait3A_394 = arith.constant 0 : i32
      %dma_wait3A_395 = tpu.memref_slice %arg5[%dma_wait3A_390, %dma_wait3A_394] : memref<80x128xi32, #tpu.memory_space<vmem>> -> memref<1x128xi32, #tpu.memory_space<vmem>>
      %dma_wait3A_396 = tpu.memref_squeeze %dma_wait3A_395 : memref<1x128xi32, #tpu.memory_space<vmem>> -> memref<128xi32, #tpu.memory_space<vmem>>
      %dma_wait3A_397 = arith.constant 0 : i32
      %dma_wait3A_398 = arith.constant 0 : i32
      %dma_wait3A_399 = tpu.memref_slice %arg3[%dma_wait3A_397, %dma_wait3A_398] : memref<1048576x32xf32, #tpu.memory_space<hbm>> -> memref<1048576x32xf32, #tpu.memory_space<hbm>>
      tpu.wait_indirect_dma semaphore(%arg8 : memref<!tpu.dma_semaphore, #tpu.memory_space<semaphore_mem>>) src(%dma_wait3A_399 : memref<1048576x32xf32, #tpu.memory_space<hbm>>) dst(%dma_wait3A_393 : memref<128x32xf32, #tpu.memory_space<vmem>>)
      %dma_wait3A_400 = arith.constant 4 : i32
      %dma_wait3A_401 = arith.constant 512 : i32
      %dma_wait3A_402 = arith.constant 0 : i32
      %dma_wait3A_403 = tpu.memref_slice %arg6[%dma_wait3A_401, %dma_wait3A_402] : memref<1024x32xf32, #tpu.memory_space<vmem>> -> memref<128x32xf32, #tpu.memory_space<vmem>>
      %dma_wait3A_404 = arith.constant 0 : i32
      %dma_wait3A_405 = tpu.memref_slice %arg5[%dma_wait3A_400, %dma_wait3A_404] : memref<80x128xi32, #tpu.memory_space<vmem>> -> memref<1x128xi32, #tpu.memory_space<vmem>>
      %dma_wait3A_406 = tpu.memref_squeeze %dma_wait3A_405 : memref<1x128xi32, #tpu.memory_space<vmem>> -> memref<128xi32, #tpu.memory_space<vmem>>
      %dma_wait3A_407 = arith.constant 0 : i32
      %dma_wait3A_408 = arith.constant 0 : i32
      %dma_wait3A_409 = tpu.memref_slice %arg3[%dma_wait3A_407, %dma_wait3A_408] : memref<1048576x32xf32, #tpu.memory_space<hbm>> -> memref<1048576x32xf32, #tpu.memory_space<hbm>>
      tpu.wait_indirect_dma semaphore(%arg8 : memref<!tpu.dma_semaphore, #tpu.memory_space<semaphore_mem>>) src(%dma_wait3A_409 : memref<1048576x32xf32, #tpu.memory_space<hbm>>) dst(%dma_wait3A_403 : memref<128x32xf32, #tpu.memory_space<vmem>>)
      %dma_wait3A_410 = arith.constant 5 : i32
      %dma_wait3A_411 = arith.constant 640 : i32
      %dma_wait3A_412 = arith.constant 0 : i32
      %dma_wait3A_413 = tpu.memref_slice %arg6[%dma_wait3A_411, %dma_wait3A_412] : memref<1024x32xf32, #tpu.memory_space<vmem>> -> memref<128x32xf32, #tpu.memory_space<vmem>>
      %dma_wait3A_414 = arith.constant 0 : i32
      %dma_wait3A_415 = tpu.memref_slice %arg5[%dma_wait3A_410, %dma_wait3A_414] : memref<80x128xi32, #tpu.memory_space<vmem>> -> memref<1x128xi32, #tpu.memory_space<vmem>>
      %dma_wait3A_416 = tpu.memref_squeeze %dma_wait3A_415 : memref<1x128xi32, #tpu.memory_space<vmem>> -> memref<128xi32, #tpu.memory_space<vmem>>
      %dma_wait3A_417 = arith.constant 0 : i32
      %dma_wait3A_418 = arith.constant 0 : i32
      %dma_wait3A_419 = tpu.memref_slice %arg3[%dma_wait3A_417, %dma_wait3A_418] : memref<1048576x32xf32, #tpu.memory_space<hbm>> -> memref<1048576x32xf32, #tpu.memory_space<hbm>>
      tpu.wait_indirect_dma semaphore(%arg8 : memref<!tpu.dma_semaphore, #tpu.memory_space<semaphore_mem>>) src(%dma_wait3A_419 : memref<1048576x32xf32, #tpu.memory_space<hbm>>) dst(%dma_wait3A_413 : memref<128x32xf32, #tpu.memory_space<vmem>>)
      %dma_wait3A_420 = arith.constant 6 : i32
      %dma_wait3A_421 = arith.constant 768 : i32
      %dma_wait3A_422 = arith.constant 0 : i32
      %dma_wait3A_423 = tpu.memref_slice %arg6[%dma_wait3A_421, %dma_wait3A_422] : memref<1024x32xf32, #tpu.memory_space<vmem>> -> memref<128x32xf32, #tpu.memory_space<vmem>>
      %dma_wait3A_424 = arith.constant 0 : i32
      %dma_wait3A_425 = tpu.memref_slice %arg5[%dma_wait3A_420, %dma_wait3A_424] : memref<80x128xi32, #tpu.memory_space<vmem>> -> memref<1x128xi32, #tpu.memory_space<vmem>>
      %dma_wait3A_426 = tpu.memref_squeeze %dma_wait3A_425 : memref<1x128xi32, #tpu.memory_space<vmem>> -> memref<128xi32, #tpu.memory_space<vmem>>
      %dma_wait3A_427 = arith.constant 0 : i32
      %dma_wait3A_428 = arith.constant 0 : i32
      %dma_wait3A_429 = tpu.memref_slice %arg3[%dma_wait3A_427, %dma_wait3A_428] : memref<1048576x32xf32, #tpu.memory_space<hbm>> -> memref<1048576x32xf32, #tpu.memory_space<hbm>>
      tpu.wait_indirect_dma semaphore(%arg8 : memref<!tpu.dma_semaphore, #tpu.memory_space<semaphore_mem>>) src(%dma_wait3A_429 : memref<1048576x32xf32, #tpu.memory_space<hbm>>) dst(%dma_wait3A_423 : memref<128x32xf32, #tpu.memory_space<vmem>>)
      %dma_wait3A_430 = arith.constant 7 : i32
      %dma_wait3A_431 = arith.constant 896 : i32
      %dma_wait3A_432 = arith.constant 0 : i32
      %dma_wait3A_433 = tpu.memref_slice %arg6[%dma_wait3A_431, %dma_wait3A_432] : memref<1024x32xf32, #tpu.memory_space<vmem>> -> memref<128x32xf32, #tpu.memory_space<vmem>>
      %dma_wait3A_434 = arith.constant 0 : i32
      %dma_wait3A_435 = tpu.memref_slice %arg5[%dma_wait3A_430, %dma_wait3A_434] : memref<80x128xi32, #tpu.memory_space<vmem>> -> memref<1x128xi32, #tpu.memory_space<vmem>>
      %dma_wait3A_436 = tpu.memref_squeeze %dma_wait3A_435 : memref<1x128xi32, #tpu.memory_space<vmem>> -> memref<128xi32, #tpu.memory_space<vmem>>
      %dma_wait3A_437 = arith.constant 0 : i32
      %dma_wait3A_438 = arith.constant 0 : i32
      %dma_wait3A_439 = tpu.memref_slice %arg3[%dma_wait3A_437, %dma_wait3A_438] : memref<1048576x32xf32, #tpu.memory_space<hbm>> -> memref<1048576x32xf32, #tpu.memory_space<hbm>>
      tpu.wait_indirect_dma semaphore(%arg8 : memref<!tpu.dma_semaphore, #tpu.memory_space<semaphore_mem>>) src(%dma_wait3A_439 : memref<1048576x32xf32, #tpu.memory_space<hbm>>) dst(%dma_wait3A_433 : memref<128x32xf32, #tpu.memory_space<vmem>>)
      %mul3A_440 = arith.constant 1024 : i32
      %mul3A_441 = arith.muli %mul3A_359, %mul3A_440 : i32
      %add3A_442 = arith.addi %mul3A_6, %mul3A_441 : i32
      %dma_start3A_443 = arith.constant 0 : i32
      %dma_start3A_444 = tpu.memref_slice %arg4[%add3A_442, %dma_start3A_443] : memref<327680x32xf32, #tpu.memory_space<hbm>> -> memref<1024x32xf32, #tpu.memory_space<hbm>>
      %dma_start3A_445 = arith.constant 0 : i32
      %dma_start3A_446 = tpu.memref_slice %arg4[%add3A_442, %dma_start3A_445] : memref<327680x32xf32, #tpu.memory_space<hbm>> -> memref<1024x32xf32, #tpu.memory_space<hbm>>
      tpu.enqueue_dma source(%arg6 : memref<1024x32xf32, #tpu.memory_space<vmem>>) target(%dma_start3A_446 : memref<1024x32xf32, #tpu.memory_space<hbm>>) target_semaphore(%arg10 : memref<!tpu.dma_semaphore, #tpu.memory_space<semaphore_mem>>)
      %dma_wait3A_447 = arith.constant 0 : i32
      %dma_wait3A_448 = arith.constant 0 : i32
      %dma_wait3A_449 = arith.constant 0 : i32
      %dma_wait3A_450 = tpu.memref_slice %arg7[%dma_wait3A_448, %dma_wait3A_449] : memref<1024x32xf32, #tpu.memory_space<vmem>> -> memref<128x32xf32, #tpu.memory_space<vmem>>
      %dma_wait3A_451 = arith.constant 0 : i32
      %dma_wait3A_452 = tpu.memref_slice %arg5[%dma_wait3A_447, %dma_wait3A_451] : memref<80x128xi32, #tpu.memory_space<vmem>> -> memref<1x128xi32, #tpu.memory_space<vmem>>
      %dma_wait3A_453 = tpu.memref_squeeze %dma_wait3A_452 : memref<1x128xi32, #tpu.memory_space<vmem>> -> memref<128xi32, #tpu.memory_space<vmem>>
      %dma_wait3A_454 = arith.constant 0 : i32
      %dma_wait3A_455 = arith.constant 0 : i32
      %dma_wait3A_456 = tpu.memref_slice %arg3[%dma_wait3A_454, %dma_wait3A_455] : memref<1048576x32xf32, #tpu.memory_space<hbm>> -> memref<1048576x32xf32, #tpu.memory_space<hbm>>
      tpu.wait_indirect_dma semaphore(%arg9 : memref<!tpu.dma_semaphore, #tpu.memory_space<semaphore_mem>>) src(%dma_wait3A_456 : memref<1048576x32xf32, #tpu.memory_space<hbm>>) dst(%dma_wait3A_450 : memref<128x32xf32, #tpu.memory_space<vmem>>)
      %dma_wait3A_457 = arith.constant 1 : i32
      %dma_wait3A_458 = arith.constant 128 : i32
      %dma_wait3A_459 = arith.constant 0 : i32
      %dma_wait3A_460 = tpu.memref_slice %arg7[%dma_wait3A_458, %dma_wait3A_459] : memref<1024x32xf32, #tpu.memory_space<vmem>> -> memref<128x32xf32, #tpu.memory_space<vmem>>
      %dma_wait3A_461 = arith.constant 0 : i32
      %dma_wait3A_462 = tpu.memref_slice %arg5[%dma_wait3A_457, %dma_wait3A_461] : memref<80x128xi32, #tpu.memory_space<vmem>> -> memref<1x128xi32, #tpu.memory_space<vmem>>
      %dma_wait3A_463 = tpu.memref_squeeze %dma_wait3A_462 : memref<1x128xi32, #tpu.memory_space<vmem>> -> memref<128xi32, #tpu.memory_space<vmem>>
      %dma_wait3A_464 = arith.constant 0 : i32
      %dma_wait3A_465 = arith.constant 0 : i32
      %dma_wait3A_466 = tpu.memref_slice %arg3[%dma_wait3A_464, %dma_wait3A_465] : memref<1048576x32xf32, #tpu.memory_space<hbm>> -> memref<1048576x32xf32, #tpu.memory_space<hbm>>
      tpu.wait_indirect_dma semaphore(%arg9 : memref<!tpu.dma_semaphore, #tpu.memory_space<semaphore_mem>>) src(%dma_wait3A_466 : memref<1048576x32xf32, #tpu.memory_space<hbm>>) dst(%dma_wait3A_460 : memref<128x32xf32, #tpu.memory_space<vmem>>)
      %dma_wait3A_467 = arith.constant 2 : i32
      %dma_wait3A_468 = arith.constant 256 : i32
      %dma_wait3A_469 = arith.constant 0 : i32
      %dma_wait3A_470 = tpu.memref_slice %arg7[%dma_wait3A_468, %dma_wait3A_469] : memref<1024x32xf32, #tpu.memory_space<vmem>> -> memref<128x32xf32, #tpu.memory_space<vmem>>
      %dma_wait3A_471 = arith.constant 0 : i32
      %dma_wait3A_472 = tpu.memref_slice %arg5[%dma_wait3A_467, %dma_wait3A_471] : memref<80x128xi32, #tpu.memory_space<vmem>> -> memref<1x128xi32, #tpu.memory_space<vmem>>
      %dma_wait3A_473 = tpu.memref_squeeze %dma_wait3A_472 : memref<1x128xi32, #tpu.memory_space<vmem>> -> memref<128xi32, #tpu.memory_space<vmem>>
      %dma_wait3A_474 = arith.constant 0 : i32
      %dma_wait3A_475 = arith.constant 0 : i32
      %dma_wait3A_476 = tpu.memref_slice %arg3[%dma_wait3A_474, %dma_wait3A_475] : memref<1048576x32xf32, #tpu.memory_space<hbm>> -> memref<1048576x32xf32, #tpu.memory_space<hbm>>
      tpu.wait_indirect_dma semaphore(%arg9 : memref<!tpu.dma_semaphore, #tpu.memory_space<semaphore_mem>>) src(%dma_wait3A_476 : memref<1048576x32xf32, #tpu.memory_space<hbm>>) dst(%dma_wait3A_470 : memref<128x32xf32, #tpu.memory_space<vmem>>)
      %dma_wait3A_477 = arith.constant 3 : i32
      %dma_wait3A_478 = arith.constant 384 : i32
      %dma_wait3A_479 = arith.constant 0 : i32
      %dma_wait3A_480 = tpu.memref_slice %arg7[%dma_wait3A_478, %dma_wait3A_479] : memref<1024x32xf32, #tpu.memory_space<vmem>> -> memref<128x32xf32, #tpu.memory_space<vmem>>
      %dma_wait3A_481 = arith.constant 0 : i32
      %dma_wait3A_482 = tpu.memref_slice %arg5[%dma_wait3A_477, %dma_wait3A_481] : memref<80x128xi32, #tpu.memory_space<vmem>> -> memref<1x128xi32, #tpu.memory_space<vmem>>
      %dma_wait3A_483 = tpu.memref_squeeze %dma_wait3A_482 : memref<1x128xi32, #tpu.memory_space<vmem>> -> memref<128xi32, #tpu.memory_space<vmem>>
      %dma_wait3A_484 = arith.constant 0 : i32
      %dma_wait3A_485 = arith.constant 0 : i32
      %dma_wait3A_486 = tpu.memref_slice %arg3[%dma_wait3A_484, %dma_wait3A_485] : memref<1048576x32xf32, #tpu.memory_space<hbm>> -> memref<1048576x32xf32, #tpu.memory_space<hbm>>
      tpu.wait_indirect_dma semaphore(%arg9 : memref<!tpu.dma_semaphore, #tpu.memory_space<semaphore_mem>>) src(%dma_wait3A_486 : memref<1048576x32xf32, #tpu.memory_space<hbm>>) dst(%dma_wait3A_480 : memref<128x32xf32, #tpu.memory_space<vmem>>)
      %dma_wait3A_487 = arith.constant 4 : i32
      %dma_wait3A_488 = arith.constant 512 : i32
      %dma_wait3A_489 = arith.constant 0 : i32
      %dma_wait3A_490 = tpu.memref_slice %arg7[%dma_wait3A_488, %dma_wait3A_489] : memref<1024x32xf32, #tpu.memory_space<vmem>> -> memref<128x32xf32, #tpu.memory_space<vmem>>
      %dma_wait3A_491 = arith.constant 0 : i32
      %dma_wait3A_492 = tpu.memref_slice %arg5[%dma_wait3A_487, %dma_wait3A_491] : memref<80x128xi32, #tpu.memory_space<vmem>> -> memref<1x128xi32, #tpu.memory_space<vmem>>
      %dma_wait3A_493 = tpu.memref_squeeze %dma_wait3A_492 : memref<1x128xi32, #tpu.memory_space<vmem>> -> memref<128xi32, #tpu.memory_space<vmem>>
      %dma_wait3A_494 = arith.constant 0 : i32
      %dma_wait3A_495 = arith.constant 0 : i32
      %dma_wait3A_496 = tpu.memref_slice %arg3[%dma_wait3A_494, %dma_wait3A_495] : memref<1048576x32xf32, #tpu.memory_space<hbm>> -> memref<1048576x32xf32, #tpu.memory_space<hbm>>
      tpu.wait_indirect_dma semaphore(%arg9 : memref<!tpu.dma_semaphore, #tpu.memory_space<semaphore_mem>>) src(%dma_wait3A_496 : memref<1048576x32xf32, #tpu.memory_space<hbm>>) dst(%dma_wait3A_490 : memref<128x32xf32, #tpu.memory_space<vmem>>)
      %dma_wait3A_497 = arith.constant 5 : i32
      %dma_wait3A_498 = arith.constant 640 : i32
      %dma_wait3A_499 = arith.constant 0 : i32
      %dma_wait3A_500 = tpu.memref_slice %arg7[%dma_wait3A_498, %dma_wait3A_499] : memref<1024x32xf32, #tpu.memory_space<vmem>> -> memref<128x32xf32, #tpu.memory_space<vmem>>
      %dma_wait3A_501 = arith.constant 0 : i32
      %dma_wait3A_502 = tpu.memref_slice %arg5[%dma_wait3A_497, %dma_wait3A_501] : memref<80x128xi32, #tpu.memory_space<vmem>> -> memref<1x128xi32, #tpu.memory_space<vmem>>
      %dma_wait3A_503 = tpu.memref_squeeze %dma_wait3A_502 : memref<1x128xi32, #tpu.memory_space<vmem>> -> memref<128xi32, #tpu.memory_space<vmem>>
      %dma_wait3A_504 = arith.constant 0 : i32
      %dma_wait3A_505 = arith.constant 0 : i32
      %dma_wait3A_506 = tpu.memref_slice %arg3[%dma_wait3A_504, %dma_wait3A_505] : memref<1048576x32xf32, #tpu.memory_space<hbm>> -> memref<1048576x32xf32, #tpu.memory_space<hbm>>
      tpu.wait_indirect_dma semaphore(%arg9 : memref<!tpu.dma_semaphore, #tpu.memory_space<semaphore_mem>>) src(%dma_wait3A_506 : memref<1048576x32xf32, #tpu.memory_space<hbm>>) dst(%dma_wait3A_500 : memref<128x32xf32, #tpu.memory_space<vmem>>)
      %dma_wait3A_507 = arith.constant 6 : i32
      %dma_wait3A_508 = arith.constant 768 : i32
      %dma_wait3A_509 = arith.constant 0 : i32
      %dma_wait3A_510 = tpu.memref_slice %arg7[%dma_wait3A_508, %dma_wait3A_509] : memref<1024x32xf32, #tpu.memory_space<vmem>> -> memref<128x32xf32, #tpu.memory_space<vmem>>
      %dma_wait3A_511 = arith.constant 0 : i32
      %dma_wait3A_512 = tpu.memref_slice %arg5[%dma_wait3A_507, %dma_wait3A_511] : memref<80x128xi32, #tpu.memory_space<vmem>> -> memref<1x128xi32, #tpu.memory_space<vmem>>
      %dma_wait3A_513 = tpu.memref_squeeze %dma_wait3A_512 : memref<1x128xi32, #tpu.memory_space<vmem>> -> memref<128xi32, #tpu.memory_space<vmem>>
      %dma_wait3A_514 = arith.constant 0 : i32
      %dma_wait3A_515 = arith.constant 0 : i32
      %dma_wait3A_516 = tpu.memref_slice %arg3[%dma_wait3A_514, %dma_wait3A_515] : memref<1048576x32xf32, #tpu.memory_space<hbm>> -> memref<1048576x32xf32, #tpu.memory_space<hbm>>
      tpu.wait_indirect_dma semaphore(%arg9 : memref<!tpu.dma_semaphore, #tpu.memory_space<semaphore_mem>>) src(%dma_wait3A_516 : memref<1048576x32xf32, #tpu.memory_space<hbm>>) dst(%dma_wait3A_510 : memref<128x32xf32, #tpu.memory_space<vmem>>)
      %dma_wait3A_517 = arith.constant 7 : i32
      %dma_wait3A_518 = arith.constant 896 : i32
      %dma_wait3A_519 = arith.constant 0 : i32
      %dma_wait3A_520 = tpu.memref_slice %arg7[%dma_wait3A_518, %dma_wait3A_519] : memref<1024x32xf32, #tpu.memory_space<vmem>> -> memref<128x32xf32, #tpu.memory_space<vmem>>
      %dma_wait3A_521 = arith.constant 0 : i32
      %dma_wait3A_522 = tpu.memref_slice %arg5[%dma_wait3A_517, %dma_wait3A_521] : memref<80x128xi32, #tpu.memory_space<vmem>> -> memref<1x128xi32, #tpu.memory_space<vmem>>
      %dma_wait3A_523 = tpu.memref_squeeze %dma_wait3A_522 : memref<1x128xi32, #tpu.memory_space<vmem>> -> memref<128xi32, #tpu.memory_space<vmem>>
      %dma_wait3A_524 = arith.constant 0 : i32
      %dma_wait3A_525 = arith.constant 0 : i32
      %dma_wait3A_526 = tpu.memref_slice %arg3[%dma_wait3A_524, %dma_wait3A_525] : memref<1048576x32xf32, #tpu.memory_space<hbm>> -> memref<1048576x32xf32, #tpu.memory_space<hbm>>
      tpu.wait_indirect_dma semaphore(%arg9 : memref<!tpu.dma_semaphore, #tpu.memory_space<semaphore_mem>>) src(%dma_wait3A_526 : memref<1048576x32xf32, #tpu.memory_space<hbm>>) dst(%dma_wait3A_520 : memref<128x32xf32, #tpu.memory_space<vmem>>)
      %add3A_527 = arith.constant 1 : i32
      %add3A_528 = arith.addi %mul3A_359, %add3A_527 : i32
      %mul3A_529 = arith.constant 1024 : i32
      %mul3A_530 = arith.muli %add3A_528, %mul3A_529 : i32
      %add3A_531 = arith.addi %mul3A_6, %mul3A_530 : i32
      %dma_start3A_532 = arith.constant 0 : i32
      %dma_start3A_533 = tpu.memref_slice %arg4[%add3A_531, %dma_start3A_532] : memref<327680x32xf32, #tpu.memory_space<hbm>> -> memref<1024x32xf32, #tpu.memory_space<hbm>>
      %dma_start3A_534 = arith.constant 0 : i32
      %dma_start3A_535 = tpu.memref_slice %arg4[%add3A_531, %dma_start3A_534] : memref<327680x32xf32, #tpu.memory_space<hbm>> -> memref<1024x32xf32, #tpu.memory_space<hbm>>
      tpu.enqueue_dma source(%arg7 : memref<1024x32xf32, #tpu.memory_space<vmem>>) target(%dma_start3A_535 : memref<1024x32xf32, #tpu.memory_space<hbm>>) target_semaphore(%arg11 : memref<!tpu.dma_semaphore, #tpu.memory_space<semaphore_mem>>)
      %mul3A_536 = arith.constant 1024 : i32
      %mul3A_537 = arith.muli %mul3A_359, %mul3A_536 : i32
      %add3A_538 = arith.addi %mul3A_6, %mul3A_537 : i32
      %dma_wait3A_539 = arith.constant 0 : i32
      %dma_wait3A_540 = tpu.memref_slice %arg4[%add3A_538, %dma_wait3A_539] : memref<327680x32xf32, #tpu.memory_space<hbm>> -> memref<1024x32xf32, #tpu.memory_space<hbm>>
      %dma_wait3A_541 = arith.constant 0 : i32
      %dma_wait3A_542 = tpu.memref_slice %arg4[%add3A_538, %dma_wait3A_541] : memref<327680x32xf32, #tpu.memory_space<hbm>> -> memref<1024x32xf32, #tpu.memory_space<hbm>>
      tpu.wait_dma2 semaphore(%arg10 : memref<!tpu.dma_semaphore, #tpu.memory_space<semaphore_mem>>) src(%arg6 : memref<1024x32xf32, #tpu.memory_space<vmem>>) dst(%dma_wait3A_542 : memref<1024x32xf32, #tpu.memory_space<hbm>>)
      %add3A_543 = arith.constant 2 : i32
      %add3A_544 = arith.addi %mul3A_359, %add3A_543 : i32
      %mul3A_545 = arith.constant 8 : i32
      %mul3A_546 = arith.muli %add3A_544, %mul3A_545 : i32
      %add3A_547 = arith.constant 0 : i32
      %add3A_548 = arith.addi %mul3A_546, %add3A_547 : i32
      %dma_start3A_549 = arith.constant 0 : i32
      %dma_start3A_550 = arith.constant 0 : i32
      %dma_start3A_551 = tpu.memref_slice %arg6[%dma_start3A_549, %dma_start3A_550] : memref<1024x32xf32, #tpu.memory_space<vmem>> -> memref<128x32xf32, #tpu.memory_space<vmem>>
      %dma_start3A_552 = arith.constant 0 : i32
      %dma_start3A_553 = tpu.memref_slice %arg5[%add3A_548, %dma_start3A_552] : memref<80x128xi32, #tpu.memory_space<vmem>> -> memref<1x128xi32, #tpu.memory_space<vmem>>
      %dma_start3A_554 = tpu.memref_squeeze %dma_start3A_553 : memref<1x128xi32, #tpu.memory_space<vmem>> -> memref<128xi32, #tpu.memory_space<vmem>>
      %dma_start3A_555 = arith.constant 0 : i32
      %dma_start3A_556 = arith.constant 0 : i32
      %dma_start3A_557 = tpu.memref_slice %arg3[%dma_start3A_555, %dma_start3A_556] : memref<1048576x32xf32, #tpu.memory_space<hbm>> -> memref<1048576x32xf32, #tpu.memory_space<hbm>>
      tpu.enqueue_indirect_dma source(%dma_start3A_557 : memref<1048576x32xf32, #tpu.memory_space<hbm>>) target(%dma_start3A_551 : memref<128x32xf32, #tpu.memory_space<vmem>>) offsets(%dma_start3A_554 : memref<128xi32, #tpu.memory_space<vmem>>) semaphore(%arg8 : memref<!tpu.dma_semaphore, #tpu.memory_space<semaphore_mem>>)
      %mul3A_558 = arith.constant 8 : i32
      %mul3A_559 = arith.muli %add3A_544, %mul3A_558 : i32
      %add3A_560 = arith.constant 1 : i32
      %add3A_561 = arith.addi %mul3A_559, %add3A_560 : i32
      %dma_start3A_562 = arith.constant 128 : i32
      %dma_start3A_563 = arith.constant 0 : i32
      %dma_start3A_564 = tpu.memref_slice %arg6[%dma_start3A_562, %dma_start3A_563] : memref<1024x32xf32, #tpu.memory_space<vmem>> -> memref<128x32xf32, #tpu.memory_space<vmem>>
      %dma_start3A_565 = arith.constant 0 : i32
      %dma_start3A_566 = tpu.memref_slice %arg5[%add3A_561, %dma_start3A_565] : memref<80x128xi32, #tpu.memory_space<vmem>> -> memref<1x128xi32, #tpu.memory_space<vmem>>
      %dma_start3A_567 = tpu.memref_squeeze %dma_start3A_566 : memref<1x128xi32, #tpu.memory_space<vmem>> -> memref<128xi32, #tpu.memory_space<vmem>>
      %dma_start3A_568 = arith.constant 0 : i32
      %dma_start3A_569 = arith.constant 0 : i32
      %dma_start3A_570 = tpu.memref_slice %arg3[%dma_start3A_568, %dma_start3A_569] : memref<1048576x32xf32, #tpu.memory_space<hbm>> -> memref<1048576x32xf32, #tpu.memory_space<hbm>>
      tpu.enqueue_indirect_dma source(%dma_start3A_570 : memref<1048576x32xf32, #tpu.memory_space<hbm>>) target(%dma_start3A_564 : memref<128x32xf32, #tpu.memory_space<vmem>>) offsets(%dma_start3A_567 : memref<128xi32, #tpu.memory_space<vmem>>) semaphore(%arg8 : memref<!tpu.dma_semaphore, #tpu.memory_space<semaphore_mem>>)
      %mul3A_571 = arith.constant 8 : i32
      %mul3A_572 = arith.muli %add3A_544, %mul3A_571 : i32
      %add3A_573 = arith.constant 2 : i32
      %add3A_574 = arith.addi %mul3A_572, %add3A_573 : i32
      %dma_start3A_575 = arith.constant 256 : i32
      %dma_start3A_576 = arith.constant 0 : i32
      %dma_start3A_577 = tpu.memref_slice %arg6[%dma_start3A_575, %dma_start3A_576] : memref<1024x32xf32, #tpu.memory_space<vmem>> -> memref<128x32xf32, #tpu.memory_space<vmem>>
      %dma_start3A_578 = arith.constant 0 : i32
      %dma_start3A_579 = tpu.memref_slice %arg5[%add3A_574, %dma_start3A_578] : memref<80x128xi32, #tpu.memory_space<vmem>> -> memref<1x128xi32, #tpu.memory_space<vmem>>
      %dma_start3A_580 = tpu.memref_squeeze %dma_start3A_579 : memref<1x128xi32, #tpu.memory_space<vmem>> -> memref<128xi32, #tpu.memory_space<vmem>>
      %dma_start3A_581 = arith.constant 0 : i32
      %dma_start3A_582 = arith.constant 0 : i32
      %dma_start3A_583 = tpu.memref_slice %arg3[%dma_start3A_581, %dma_start3A_582] : memref<1048576x32xf32, #tpu.memory_space<hbm>> -> memref<1048576x32xf32, #tpu.memory_space<hbm>>
      tpu.enqueue_indirect_dma source(%dma_start3A_583 : memref<1048576x32xf32, #tpu.memory_space<hbm>>) target(%dma_start3A_577 : memref<128x32xf32, #tpu.memory_space<vmem>>) offsets(%dma_start3A_580 : memref<128xi32, #tpu.memory_space<vmem>>) semaphore(%arg8 : memref<!tpu.dma_semaphore, #tpu.memory_space<semaphore_mem>>)
      %mul3A_584 = arith.constant 8 : i32
      %mul3A_585 = arith.muli %add3A_544, %mul3A_584 : i32
      %add3A_586 = arith.constant 3 : i32
      %add3A_587 = arith.addi %mul3A_585, %add3A_586 : i32
      %dma_start3A_588 = arith.constant 384 : i32
      %dma_start3A_589 = arith.constant 0 : i32
      %dma_start3A_590 = tpu.memref_slice %arg6[%dma_start3A_588, %dma_start3A_589] : memref<1024x32xf32, #tpu.memory_space<vmem>> -> memref<128x32xf32, #tpu.memory_space<vmem>>
      %dma_start3A_591 = arith.constant 0 : i32
      %dma_start3A_592 = tpu.memref_slice %arg5[%add3A_587, %dma_start3A_591] : memref<80x128xi32, #tpu.memory_space<vmem>> -> memref<1x128xi32, #tpu.memory_space<vmem>>
      %dma_start3A_593 = tpu.memref_squeeze %dma_start3A_592 : memref<1x128xi32, #tpu.memory_space<vmem>> -> memref<128xi32, #tpu.memory_space<vmem>>
      %dma_start3A_594 = arith.constant 0 : i32
      %dma_start3A_595 = arith.constant 0 : i32
      %dma_start3A_596 = tpu.memref_slice %arg3[%dma_start3A_594, %dma_start3A_595] : memref<1048576x32xf32, #tpu.memory_space<hbm>> -> memref<1048576x32xf32, #tpu.memory_space<hbm>>
      tpu.enqueue_indirect_dma source(%dma_start3A_596 : memref<1048576x32xf32, #tpu.memory_space<hbm>>) target(%dma_start3A_590 : memref<128x32xf32, #tpu.memory_space<vmem>>) offsets(%dma_start3A_593 : memref<128xi32, #tpu.memory_space<vmem>>) semaphore(%arg8 : memref<!tpu.dma_semaphore, #tpu.memory_space<semaphore_mem>>)
      %mul3A_597 = arith.constant 8 : i32
      %mul3A_598 = arith.muli %add3A_544, %mul3A_597 : i32
      %add3A_599 = arith.constant 4 : i32
      %add3A_600 = arith.addi %mul3A_598, %add3A_599 : i32
      %dma_start3A_601 = arith.constant 512 : i32
      %dma_start3A_602 = arith.constant 0 : i32
      %dma_start3A_603 = tpu.memref_slice %arg6[%dma_start3A_601, %dma_start3A_602] : memref<1024x32xf32, #tpu.memory_space<vmem>> -> memref<128x32xf32, #tpu.memory_space<vmem>>
      %dma_start3A_604 = arith.constant 0 : i32
      %dma_start3A_605 = tpu.memref_slice %arg5[%add3A_600, %dma_start3A_604] : memref<80x128xi32, #tpu.memory_space<vmem>> -> memref<1x128xi32, #tpu.memory_space<vmem>>
      %dma_start3A_606 = tpu.memref_squeeze %dma_start3A_605 : memref<1x128xi32, #tpu.memory_space<vmem>> -> memref<128xi32, #tpu.memory_space<vmem>>
      %dma_start3A_607 = arith.constant 0 : i32
      %dma_start3A_608 = arith.constant 0 : i32
      %dma_start3A_609 = tpu.memref_slice %arg3[%dma_start3A_607, %dma_start3A_608] : memref<1048576x32xf32, #tpu.memory_space<hbm>> -> memref<1048576x32xf32, #tpu.memory_space<hbm>>
      tpu.enqueue_indirect_dma source(%dma_start3A_609 : memref<1048576x32xf32, #tpu.memory_space<hbm>>) target(%dma_start3A_603 : memref<128x32xf32, #tpu.memory_space<vmem>>) offsets(%dma_start3A_606 : memref<128xi32, #tpu.memory_space<vmem>>) semaphore(%arg8 : memref<!tpu.dma_semaphore, #tpu.memory_space<semaphore_mem>>)
      %mul3A_610 = arith.constant 8 : i32
      %mul3A_611 = arith.muli %add3A_544, %mul3A_610 : i32
      %add3A_612 = arith.constant 5 : i32
      %add3A_613 = arith.addi %mul3A_611, %add3A_612 : i32
      %dma_start3A_614 = arith.constant 640 : i32
      %dma_start3A_615 = arith.constant 0 : i32
      %dma_start3A_616 = tpu.memref_slice %arg6[%dma_start3A_614, %dma_start3A_615] : memref<1024x32xf32, #tpu.memory_space<vmem>> -> memref<128x32xf32, #tpu.memory_space<vmem>>
      %dma_start3A_617 = arith.constant 0 : i32
      %dma_start3A_618 = tpu.memref_slice %arg5[%add3A_613, %dma_start3A_617] : memref<80x128xi32, #tpu.memory_space<vmem>> -> memref<1x128xi32, #tpu.memory_space<vmem>>
      %dma_start3A_619 = tpu.memref_squeeze %dma_start3A_618 : memref<1x128xi32, #tpu.memory_space<vmem>> -> memref<128xi32, #tpu.memory_space<vmem>>
      %dma_start3A_620 = arith.constant 0 : i32
      %dma_start3A_621 = arith.constant 0 : i32
      %dma_start3A_622 = tpu.memref_slice %arg3[%dma_start3A_620, %dma_start3A_621] : memref<1048576x32xf32, #tpu.memory_space<hbm>> -> memref<1048576x32xf32, #tpu.memory_space<hbm>>
      tpu.enqueue_indirect_dma source(%dma_start3A_622 : memref<1048576x32xf32, #tpu.memory_space<hbm>>) target(%dma_start3A_616 : memref<128x32xf32, #tpu.memory_space<vmem>>) offsets(%dma_start3A_619 : memref<128xi32, #tpu.memory_space<vmem>>) semaphore(%arg8 : memref<!tpu.dma_semaphore, #tpu.memory_space<semaphore_mem>>)
      %mul3A_623 = arith.constant 8 : i32
      %mul3A_624 = arith.muli %add3A_544, %mul3A_623 : i32
      %add3A_625 = arith.constant 6 : i32
      %add3A_626 = arith.addi %mul3A_624, %add3A_625 : i32
      %dma_start3A_627 = arith.constant 768 : i32
      %dma_start3A_628 = arith.constant 0 : i32
      %dma_start3A_629 = tpu.memref_slice %arg6[%dma_start3A_627, %dma_start3A_628] : memref<1024x32xf32, #tpu.memory_space<vmem>> -> memref<128x32xf32, #tpu.memory_space<vmem>>
      %dma_start3A_630 = arith.constant 0 : i32
      %dma_start3A_631 = tpu.memref_slice %arg5[%add3A_626, %dma_start3A_630] : memref<80x128xi32, #tpu.memory_space<vmem>> -> memref<1x128xi32, #tpu.memory_space<vmem>>
      %dma_start3A_632 = tpu.memref_squeeze %dma_start3A_631 : memref<1x128xi32, #tpu.memory_space<vmem>> -> memref<128xi32, #tpu.memory_space<vmem>>
      %dma_start3A_633 = arith.constant 0 : i32
      %dma_start3A_634 = arith.constant 0 : i32
      %dma_start3A_635 = tpu.memref_slice %arg3[%dma_start3A_633, %dma_start3A_634] : memref<1048576x32xf32, #tpu.memory_space<hbm>> -> memref<1048576x32xf32, #tpu.memory_space<hbm>>
      tpu.enqueue_indirect_dma source(%dma_start3A_635 : memref<1048576x32xf32, #tpu.memory_space<hbm>>) target(%dma_start3A_629 : memref<128x32xf32, #tpu.memory_space<vmem>>) offsets(%dma_start3A_632 : memref<128xi32, #tpu.memory_space<vmem>>) semaphore(%arg8 : memref<!tpu.dma_semaphore, #tpu.memory_space<semaphore_mem>>)
      %mul3A_636 = arith.constant 8 : i32
      %mul3A_637 = arith.muli %add3A_544, %mul3A_636 : i32
      %add3A_638 = arith.constant 7 : i32
      %add3A_639 = arith.addi %mul3A_637, %add3A_638 : i32
      %dma_start3A_640 = arith.constant 896 : i32
      %dma_start3A_641 = arith.constant 0 : i32
      %dma_start3A_642 = tpu.memref_slice %arg6[%dma_start3A_640, %dma_start3A_641] : memref<1024x32xf32, #tpu.memory_space<vmem>> -> memref<128x32xf32, #tpu.memory_space<vmem>>
      %dma_start3A_643 = arith.constant 0 : i32
      %dma_start3A_644 = tpu.memref_slice %arg5[%add3A_639, %dma_start3A_643] : memref<80x128xi32, #tpu.memory_space<vmem>> -> memref<1x128xi32, #tpu.memory_space<vmem>>
      %dma_start3A_645 = tpu.memref_squeeze %dma_start3A_644 : memref<1x128xi32, #tpu.memory_space<vmem>> -> memref<128xi32, #tpu.memory_space<vmem>>
      %dma_start3A_646 = arith.constant 0 : i32
      %dma_start3A_647 = arith.constant 0 : i32
      %dma_start3A_648 = tpu.memref_slice %arg3[%dma_start3A_646, %dma_start3A_647] : memref<1048576x32xf32, #tpu.memory_space<hbm>> -> memref<1048576x32xf32, #tpu.memory_space<hbm>>
      tpu.enqueue_indirect_dma source(%dma_start3A_648 : memref<1048576x32xf32, #tpu.memory_space<hbm>>) target(%dma_start3A_642 : memref<128x32xf32, #tpu.memory_space<vmem>>) offsets(%dma_start3A_645 : memref<128xi32, #tpu.memory_space<vmem>>) semaphore(%arg8 : memref<!tpu.dma_semaphore, #tpu.memory_space<semaphore_mem>>)
      %add3A_649 = arith.constant 1 : i32
      %add3A_650 = arith.addi %mul3A_359, %add3A_649 : i32
      %mul3A_651 = arith.constant 1024 : i32
      %mul3A_652 = arith.muli %add3A_650, %mul3A_651 : i32
      %add3A_653 = arith.addi %mul3A_6, %mul3A_652 : i32
      %dma_wait3A_654 = arith.constant 0 : i32
      %dma_wait3A_655 = tpu.memref_slice %arg4[%add3A_653, %dma_wait3A_654] : memref<327680x32xf32, #tpu.memory_space<hbm>> -> memref<1024x32xf32, #tpu.memory_space<hbm>>
      %dma_wait3A_656 = arith.constant 0 : i32
      %dma_wait3A_657 = tpu.memref_slice %arg4[%add3A_653, %dma_wait3A_656] : memref<327680x32xf32, #tpu.memory_space<hbm>> -> memref<1024x32xf32, #tpu.memory_space<hbm>>
      tpu.wait_dma2 semaphore(%arg11 : memref<!tpu.dma_semaphore, #tpu.memory_space<semaphore_mem>>) src(%arg7 : memref<1024x32xf32, #tpu.memory_space<vmem>>) dst(%dma_wait3A_657 : memref<1024x32xf32, #tpu.memory_space<hbm>>)
      %add3A_658 = arith.constant 3 : i32
      %add3A_659 = arith.addi %mul3A_359, %add3A_658 : i32
      %mul3A_660 = arith.constant 8 : i32
      %mul3A_661 = arith.muli %add3A_659, %mul3A_660 : i32
      %add3A_662 = arith.constant 0 : i32
      %add3A_663 = arith.addi %mul3A_661, %add3A_662 : i32
      %dma_start3A_664 = arith.constant 0 : i32
      %dma_start3A_665 = arith.constant 0 : i32
      %dma_start3A_666 = tpu.memref_slice %arg7[%dma_start3A_664, %dma_start3A_665] : memref<1024x32xf32, #tpu.memory_space<vmem>> -> memref<128x32xf32, #tpu.memory_space<vmem>>
      %dma_start3A_667 = arith.constant 0 : i32
      %dma_start3A_668 = tpu.memref_slice %arg5[%add3A_663, %dma_start3A_667] : memref<80x128xi32, #tpu.memory_space<vmem>> -> memref<1x128xi32, #tpu.memory_space<vmem>>
      %dma_start3A_669 = tpu.memref_squeeze %dma_start3A_668 : memref<1x128xi32, #tpu.memory_space<vmem>> -> memref<128xi32, #tpu.memory_space<vmem>>
      %dma_start3A_670 = arith.constant 0 : i32
      %dma_start3A_671 = arith.constant 0 : i32
      %dma_start3A_672 = tpu.memref_slice %arg3[%dma_start3A_670, %dma_start3A_671] : memref<1048576x32xf32, #tpu.memory_space<hbm>> -> memref<1048576x32xf32, #tpu.memory_space<hbm>>
      tpu.enqueue_indirect_dma source(%dma_start3A_672 : memref<1048576x32xf32, #tpu.memory_space<hbm>>) target(%dma_start3A_666 : memref<128x32xf32, #tpu.memory_space<vmem>>) offsets(%dma_start3A_669 : memref<128xi32, #tpu.memory_space<vmem>>) semaphore(%arg9 : memref<!tpu.dma_semaphore, #tpu.memory_space<semaphore_mem>>)
      %mul3A_673 = arith.constant 8 : i32
      %mul3A_674 = arith.muli %add3A_659, %mul3A_673 : i32
      %add3A_675 = arith.constant 1 : i32
      %add3A_676 = arith.addi %mul3A_674, %add3A_675 : i32
      %dma_start3A_677 = arith.constant 128 : i32
      %dma_start3A_678 = arith.constant 0 : i32
      %dma_start3A_679 = tpu.memref_slice %arg7[%dma_start3A_677, %dma_start3A_678] : memref<1024x32xf32, #tpu.memory_space<vmem>> -> memref<128x32xf32, #tpu.memory_space<vmem>>
      %dma_start3A_680 = arith.constant 0 : i32
      %dma_start3A_681 = tpu.memref_slice %arg5[%add3A_676, %dma_start3A_680] : memref<80x128xi32, #tpu.memory_space<vmem>> -> memref<1x128xi32, #tpu.memory_space<vmem>>
      %dma_start3A_682 = tpu.memref_squeeze %dma_start3A_681 : memref<1x128xi32, #tpu.memory_space<vmem>> -> memref<128xi32, #tpu.memory_space<vmem>>
      %dma_start3A_683 = arith.constant 0 : i32
      %dma_start3A_684 = arith.constant 0 : i32
      %dma_start3A_685 = tpu.memref_slice %arg3[%dma_start3A_683, %dma_start3A_684] : memref<1048576x32xf32, #tpu.memory_space<hbm>> -> memref<1048576x32xf32, #tpu.memory_space<hbm>>
      tpu.enqueue_indirect_dma source(%dma_start3A_685 : memref<1048576x32xf32, #tpu.memory_space<hbm>>) target(%dma_start3A_679 : memref<128x32xf32, #tpu.memory_space<vmem>>) offsets(%dma_start3A_682 : memref<128xi32, #tpu.memory_space<vmem>>) semaphore(%arg9 : memref<!tpu.dma_semaphore, #tpu.memory_space<semaphore_mem>>)
      %mul3A_686 = arith.constant 8 : i32
      %mul3A_687 = arith.muli %add3A_659, %mul3A_686 : i32
      %add3A_688 = arith.constant 2 : i32
      %add3A_689 = arith.addi %mul3A_687, %add3A_688 : i32
      %dma_start3A_690 = arith.constant 256 : i32
      %dma_start3A_691 = arith.constant 0 : i32
      %dma_start3A_692 = tpu.memref_slice %arg7[%dma_start3A_690, %dma_start3A_691] : memref<1024x32xf32, #tpu.memory_space<vmem>> -> memref<128x32xf32, #tpu.memory_space<vmem>>
      %dma_start3A_693 = arith.constant 0 : i32
      %dma_start3A_694 = tpu.memref_slice %arg5[%add3A_689, %dma_start3A_693] : memref<80x128xi32, #tpu.memory_space<vmem>> -> memref<1x128xi32, #tpu.memory_space<vmem>>
      %dma_start3A_695 = tpu.memref_squeeze %dma_start3A_694 : memref<1x128xi32, #tpu.memory_space<vmem>> -> memref<128xi32, #tpu.memory_space<vmem>>
      %dma_start3A_696 = arith.constant 0 : i32
      %dma_start3A_697 = arith.constant 0 : i32
      %dma_start3A_698 = tpu.memref_slice %arg3[%dma_start3A_696, %dma_start3A_697] : memref<1048576x32xf32, #tpu.memory_space<hbm>> -> memref<1048576x32xf32, #tpu.memory_space<hbm>>
      tpu.enqueue_indirect_dma source(%dma_start3A_698 : memref<1048576x32xf32, #tpu.memory_space<hbm>>) target(%dma_start3A_692 : memref<128x32xf32, #tpu.memory_space<vmem>>) offsets(%dma_start3A_695 : memref<128xi32, #tpu.memory_space<vmem>>) semaphore(%arg9 : memref<!tpu.dma_semaphore, #tpu.memory_space<semaphore_mem>>)
      %mul3A_699 = arith.constant 8 : i32
      %mul3A_700 = arith.muli %add3A_659, %mul3A_699 : i32
      %add3A_701 = arith.constant 3 : i32
      %add3A_702 = arith.addi %mul3A_700, %add3A_701 : i32
      %dma_start3A_703 = arith.constant 384 : i32
      %dma_start3A_704 = arith.constant 0 : i32
      %dma_start3A_705 = tpu.memref_slice %arg7[%dma_start3A_703, %dma_start3A_704] : memref<1024x32xf32, #tpu.memory_space<vmem>> -> memref<128x32xf32, #tpu.memory_space<vmem>>
      %dma_start3A_706 = arith.constant 0 : i32
      %dma_start3A_707 = tpu.memref_slice %arg5[%add3A_702, %dma_start3A_706] : memref<80x128xi32, #tpu.memory_space<vmem>> -> memref<1x128xi32, #tpu.memory_space<vmem>>
      %dma_start3A_708 = tpu.memref_squeeze %dma_start3A_707 : memref<1x128xi32, #tpu.memory_space<vmem>> -> memref<128xi32, #tpu.memory_space<vmem>>
      %dma_start3A_709 = arith.constant 0 : i32
      %dma_start3A_710 = arith.constant 0 : i32
      %dma_start3A_711 = tpu.memref_slice %arg3[%dma_start3A_709, %dma_start3A_710] : memref<1048576x32xf32, #tpu.memory_space<hbm>> -> memref<1048576x32xf32, #tpu.memory_space<hbm>>
      tpu.enqueue_indirect_dma source(%dma_start3A_711 : memref<1048576x32xf32, #tpu.memory_space<hbm>>) target(%dma_start3A_705 : memref<128x32xf32, #tpu.memory_space<vmem>>) offsets(%dma_start3A_708 : memref<128xi32, #tpu.memory_space<vmem>>) semaphore(%arg9 : memref<!tpu.dma_semaphore, #tpu.memory_space<semaphore_mem>>)
      %mul3A_712 = arith.constant 8 : i32
      %mul3A_713 = arith.muli %add3A_659, %mul3A_712 : i32
      %add3A_714 = arith.constant 4 : i32
      %add3A_715 = arith.addi %mul3A_713, %add3A_714 : i32
      %dma_start3A_716 = arith.constant 512 : i32
      %dma_start3A_717 = arith.constant 0 : i32
      %dma_start3A_718 = tpu.memref_slice %arg7[%dma_start3A_716, %dma_start3A_717] : memref<1024x32xf32, #tpu.memory_space<vmem>> -> memref<128x32xf32, #tpu.memory_space<vmem>>
      %dma_start3A_719 = arith.constant 0 : i32
      %dma_start3A_720 = tpu.memref_slice %arg5[%add3A_715, %dma_start3A_719] : memref<80x128xi32, #tpu.memory_space<vmem>> -> memref<1x128xi32, #tpu.memory_space<vmem>>
      %dma_start3A_721 = tpu.memref_squeeze %dma_start3A_720 : memref<1x128xi32, #tpu.memory_space<vmem>> -> memref<128xi32, #tpu.memory_space<vmem>>
      %dma_start3A_722 = arith.constant 0 : i32
      %dma_start3A_723 = arith.constant 0 : i32
      %dma_start3A_724 = tpu.memref_slice %arg3[%dma_start3A_722, %dma_start3A_723] : memref<1048576x32xf32, #tpu.memory_space<hbm>> -> memref<1048576x32xf32, #tpu.memory_space<hbm>>
      tpu.enqueue_indirect_dma source(%dma_start3A_724 : memref<1048576x32xf32, #tpu.memory_space<hbm>>) target(%dma_start3A_718 : memref<128x32xf32, #tpu.memory_space<vmem>>) offsets(%dma_start3A_721 : memref<128xi32, #tpu.memory_space<vmem>>) semaphore(%arg9 : memref<!tpu.dma_semaphore, #tpu.memory_space<semaphore_mem>>)
      %mul3A_725 = arith.constant 8 : i32
      %mul3A_726 = arith.muli %add3A_659, %mul3A_725 : i32
      %add3A_727 = arith.constant 5 : i32
      %add3A_728 = arith.addi %mul3A_726, %add3A_727 : i32
      %dma_start3A_729 = arith.constant 640 : i32
      %dma_start3A_730 = arith.constant 0 : i32
      %dma_start3A_731 = tpu.memref_slice %arg7[%dma_start3A_729, %dma_start3A_730] : memref<1024x32xf32, #tpu.memory_space<vmem>> -> memref<128x32xf32, #tpu.memory_space<vmem>>
      %dma_start3A_732 = arith.constant 0 : i32
      %dma_start3A_733 = tpu.memref_slice %arg5[%add3A_728, %dma_start3A_732] : memref<80x128xi32, #tpu.memory_space<vmem>> -> memref<1x128xi32, #tpu.memory_space<vmem>>
      %dma_start3A_734 = tpu.memref_squeeze %dma_start3A_733 : memref<1x128xi32, #tpu.memory_space<vmem>> -> memref<128xi32, #tpu.memory_space<vmem>>
      %dma_start3A_735 = arith.constant 0 : i32
      %dma_start3A_736 = arith.constant 0 : i32
      %dma_start3A_737 = tpu.memref_slice %arg3[%dma_start3A_735, %dma_start3A_736] : memref<1048576x32xf32, #tpu.memory_space<hbm>> -> memref<1048576x32xf32, #tpu.memory_space<hbm>>
      tpu.enqueue_indirect_dma source(%dma_start3A_737 : memref<1048576x32xf32, #tpu.memory_space<hbm>>) target(%dma_start3A_731 : memref<128x32xf32, #tpu.memory_space<vmem>>) offsets(%dma_start3A_734 : memref<128xi32, #tpu.memory_space<vmem>>) semaphore(%arg9 : memref<!tpu.dma_semaphore, #tpu.memory_space<semaphore_mem>>)
      %mul3A_738 = arith.constant 8 : i32
      %mul3A_739 = arith.muli %add3A_659, %mul3A_738 : i32
      %add3A_740 = arith.constant 6 : i32
      %add3A_741 = arith.addi %mul3A_739, %add3A_740 : i32
      %dma_start3A_742 = arith.constant 768 : i32
      %dma_start3A_743 = arith.constant 0 : i32
      %dma_start3A_744 = tpu.memref_slice %arg7[%dma_start3A_742, %dma_start3A_743] : memref<1024x32xf32, #tpu.memory_space<vmem>> -> memref<128x32xf32, #tpu.memory_space<vmem>>
      %dma_start3A_745 = arith.constant 0 : i32
      %dma_start3A_746 = tpu.memref_slice %arg5[%add3A_741, %dma_start3A_745] : memref<80x128xi32, #tpu.memory_space<vmem>> -> memref<1x128xi32, #tpu.memory_space<vmem>>
      %dma_start3A_747 = tpu.memref_squeeze %dma_start3A_746 : memref<1x128xi32, #tpu.memory_space<vmem>> -> memref<128xi32, #tpu.memory_space<vmem>>
      %dma_start3A_748 = arith.constant 0 : i32
      %dma_start3A_749 = arith.constant 0 : i32
      %dma_start3A_750 = tpu.memref_slice %arg3[%dma_start3A_748, %dma_start3A_749] : memref<1048576x32xf32, #tpu.memory_space<hbm>> -> memref<1048576x32xf32, #tpu.memory_space<hbm>>
      tpu.enqueue_indirect_dma source(%dma_start3A_750 : memref<1048576x32xf32, #tpu.memory_space<hbm>>) target(%dma_start3A_744 : memref<128x32xf32, #tpu.memory_space<vmem>>) offsets(%dma_start3A_747 : memref<128xi32, #tpu.memory_space<vmem>>) semaphore(%arg9 : memref<!tpu.dma_semaphore, #tpu.memory_space<semaphore_mem>>)
      %mul3A_751 = arith.constant 8 : i32
      %mul3A_752 = arith.muli %add3A_659, %mul3A_751 : i32
      %add3A_753 = arith.constant 7 : i32
      %add3A_754 = arith.addi %mul3A_752, %add3A_753 : i32
      %dma_start3A_755 = arith.constant 896 : i32
      %dma_start3A_756 = arith.constant 0 : i32
      %dma_start3A_757 = tpu.memref_slice %arg7[%dma_start3A_755, %dma_start3A_756] : memref<1024x32xf32, #tpu.memory_space<vmem>> -> memref<128x32xf32, #tpu.memory_space<vmem>>
      %dma_start3A_758 = arith.constant 0 : i32
      %dma_start3A_759 = tpu.memref_slice %arg5[%add3A_754, %dma_start3A_758] : memref<80x128xi32, #tpu.memory_space<vmem>> -> memref<1x128xi32, #tpu.memory_space<vmem>>
      %dma_start3A_760 = tpu.memref_squeeze %dma_start3A_759 : memref<1x128xi32, #tpu.memory_space<vmem>> -> memref<128xi32, #tpu.memory_space<vmem>>
      %dma_start3A_761 = arith.constant 0 : i32
      %dma_start3A_762 = arith.constant 0 : i32
      %dma_start3A_763 = tpu.memref_slice %arg3[%dma_start3A_761, %dma_start3A_762] : memref<1048576x32xf32, #tpu.memory_space<hbm>> -> memref<1048576x32xf32, #tpu.memory_space<hbm>>
      tpu.enqueue_indirect_dma source(%dma_start3A_763 : memref<1048576x32xf32, #tpu.memory_space<hbm>>) target(%dma_start3A_757 : memref<128x32xf32, #tpu.memory_space<vmem>>) offsets(%dma_start3A_760 : memref<128xi32, #tpu.memory_space<vmem>>) semaphore(%arg9 : memref<!tpu.dma_semaphore, #tpu.memory_space<semaphore_mem>>)
    }
    %scan3A_169 = arith.constant 4 : i32
    %dma_wait3A = arith.constant 0 : i32
    %dma_wait3A_170 = arith.constant 0 : i32
    %dma_wait3A_171 = arith.constant 0 : i32
    %dma_wait3A_172 = tpu.memref_slice %arg6[%dma_wait3A_170, %dma_wait3A_171] : memref<1024x32xf32, #tpu.memory_space<vmem>> -> memref<128x32xf32, #tpu.memory_space<vmem>>
    %dma_wait3A_173 = arith.constant 0 : i32
    %dma_wait3A_174 = tpu.memref_slice %arg5[%dma_wait3A, %dma_wait3A_173] : memref<80x128xi32, #tpu.memory_space<vmem>> -> memref<1x128xi32, #tpu.memory_space<vmem>>
    %dma_wait3A_175 = tpu.memref_squeeze %dma_wait3A_174 : memref<1x128xi32, #tpu.memory_space<vmem>> -> memref<128xi32, #tpu.memory_space<vmem>>
    %dma_wait3A_176 = arith.constant 0 : i32
    %dma_wait3A_177 = arith.constant 0 : i32
    %dma_wait3A_178 = tpu.memref_slice %arg3[%dma_wait3A_176, %dma_wait3A_177] : memref<1048576x32xf32, #tpu.memory_space<hbm>> -> memref<1048576x32xf32, #tpu.memory_space<hbm>>
    tpu.wait_indirect_dma semaphore(%arg8 : memref<!tpu.dma_semaphore, #tpu.memory_space<semaphore_mem>>) src(%dma_wait3A_178 : memref<1048576x32xf32, #tpu.memory_space<hbm>>) dst(%dma_wait3A_172 : memref<128x32xf32, #tpu.memory_space<vmem>>)
    %dma_wait3A_179 = arith.constant 1 : i32
    %dma_wait3A_180 = arith.constant 128 : i32
    %dma_wait3A_181 = arith.constant 0 : i32
    %dma_wait3A_182 = tpu.memref_slice %arg6[%dma_wait3A_180, %dma_wait3A_181] : memref<1024x32xf32, #tpu.memory_space<vmem>> -> memref<128x32xf32, #tpu.memory_space<vmem>>
    %dma_wait3A_183 = arith.constant 0 : i32
    %dma_wait3A_184 = tpu.memref_slice %arg5[%dma_wait3A_179, %dma_wait3A_183] : memref<80x128xi32, #tpu.memory_space<vmem>> -> memref<1x128xi32, #tpu.memory_space<vmem>>
    %dma_wait3A_185 = tpu.memref_squeeze %dma_wait3A_184 : memref<1x128xi32, #tpu.memory_space<vmem>> -> memref<128xi32, #tpu.memory_space<vmem>>
    %dma_wait3A_186 = arith.constant 0 : i32
    %dma_wait3A_187 = arith.constant 0 : i32
    %dma_wait3A_188 = tpu.memref_slice %arg3[%dma_wait3A_186, %dma_wait3A_187] : memref<1048576x32xf32, #tpu.memory_space<hbm>> -> memref<1048576x32xf32, #tpu.memory_space<hbm>>
    tpu.wait_indirect_dma semaphore(%arg8 : memref<!tpu.dma_semaphore, #tpu.memory_space<semaphore_mem>>) src(%dma_wait3A_188 : memref<1048576x32xf32, #tpu.memory_space<hbm>>) dst(%dma_wait3A_182 : memref<128x32xf32, #tpu.memory_space<vmem>>)
    %dma_wait3A_189 = arith.constant 2 : i32
    %dma_wait3A_190 = arith.constant 256 : i32
    %dma_wait3A_191 = arith.constant 0 : i32
    %dma_wait3A_192 = tpu.memref_slice %arg6[%dma_wait3A_190, %dma_wait3A_191] : memref<1024x32xf32, #tpu.memory_space<vmem>> -> memref<128x32xf32, #tpu.memory_space<vmem>>
    %dma_wait3A_193 = arith.constant 0 : i32
    %dma_wait3A_194 = tpu.memref_slice %arg5[%dma_wait3A_189, %dma_wait3A_193] : memref<80x128xi32, #tpu.memory_space<vmem>> -> memref<1x128xi32, #tpu.memory_space<vmem>>
    %dma_wait3A_195 = tpu.memref_squeeze %dma_wait3A_194 : memref<1x128xi32, #tpu.memory_space<vmem>> -> memref<128xi32, #tpu.memory_space<vmem>>
    %dma_wait3A_196 = arith.constant 0 : i32
    %dma_wait3A_197 = arith.constant 0 : i32
    %dma_wait3A_198 = tpu.memref_slice %arg3[%dma_wait3A_196, %dma_wait3A_197] : memref<1048576x32xf32, #tpu.memory_space<hbm>> -> memref<1048576x32xf32, #tpu.memory_space<hbm>>
    tpu.wait_indirect_dma semaphore(%arg8 : memref<!tpu.dma_semaphore, #tpu.memory_space<semaphore_mem>>) src(%dma_wait3A_198 : memref<1048576x32xf32, #tpu.memory_space<hbm>>) dst(%dma_wait3A_192 : memref<128x32xf32, #tpu.memory_space<vmem>>)
    %dma_wait3A_199 = arith.constant 3 : i32
    %dma_wait3A_200 = arith.constant 384 : i32
    %dma_wait3A_201 = arith.constant 0 : i32
    %dma_wait3A_202 = tpu.memref_slice %arg6[%dma_wait3A_200, %dma_wait3A_201] : memref<1024x32xf32, #tpu.memory_space<vmem>> -> memref<128x32xf32, #tpu.memory_space<vmem>>
    %dma_wait3A_203 = arith.constant 0 : i32
    %dma_wait3A_204 = tpu.memref_slice %arg5[%dma_wait3A_199, %dma_wait3A_203] : memref<80x128xi32, #tpu.memory_space<vmem>> -> memref<1x128xi32, #tpu.memory_space<vmem>>
    %dma_wait3A_205 = tpu.memref_squeeze %dma_wait3A_204 : memref<1x128xi32, #tpu.memory_space<vmem>> -> memref<128xi32, #tpu.memory_space<vmem>>
    %dma_wait3A_206 = arith.constant 0 : i32
    %dma_wait3A_207 = arith.constant 0 : i32
    %dma_wait3A_208 = tpu.memref_slice %arg3[%dma_wait3A_206, %dma_wait3A_207] : memref<1048576x32xf32, #tpu.memory_space<hbm>> -> memref<1048576x32xf32, #tpu.memory_space<hbm>>
    tpu.wait_indirect_dma semaphore(%arg8 : memref<!tpu.dma_semaphore, #tpu.memory_space<semaphore_mem>>) src(%dma_wait3A_208 : memref<1048576x32xf32, #tpu.memory_space<hbm>>) dst(%dma_wait3A_202 : memref<128x32xf32, #tpu.memory_space<vmem>>)
    %dma_wait3A_209 = arith.constant 4 : i32
    %dma_wait3A_210 = arith.constant 512 : i32
    %dma_wait3A_211 = arith.constant 0 : i32
    %dma_wait3A_212 = tpu.memref_slice %arg6[%dma_wait3A_210, %dma_wait3A_211] : memref<1024x32xf32, #tpu.memory_space<vmem>> -> memref<128x32xf32, #tpu.memory_space<vmem>>
    %dma_wait3A_213 = arith.constant 0 : i32
    %dma_wait3A_214 = tpu.memref_slice %arg5[%dma_wait3A_209, %dma_wait3A_213] : memref<80x128xi32, #tpu.memory_space<vmem>> -> memref<1x128xi32, #tpu.memory_space<vmem>>
    %dma_wait3A_215 = tpu.memref_squeeze %dma_wait3A_214 : memref<1x128xi32, #tpu.memory_space<vmem>> -> memref<128xi32, #tpu.memory_space<vmem>>
    %dma_wait3A_216 = arith.constant 0 : i32
    %dma_wait3A_217 = arith.constant 0 : i32
    %dma_wait3A_218 = tpu.memref_slice %arg3[%dma_wait3A_216, %dma_wait3A_217] : memref<1048576x32xf32, #tpu.memory_space<hbm>> -> memref<1048576x32xf32, #tpu.memory_space<hbm>>
    tpu.wait_indirect_dma semaphore(%arg8 : memref<!tpu.dma_semaphore, #tpu.memory_space<semaphore_mem>>) src(%dma_wait3A_218 : memref<1048576x32xf32, #tpu.memory_space<hbm>>) dst(%dma_wait3A_212 : memref<128x32xf32, #tpu.memory_space<vmem>>)
    %dma_wait3A_219 = arith.constant 5 : i32
    %dma_wait3A_220 = arith.constant 640 : i32
    %dma_wait3A_221 = arith.constant 0 : i32
    %dma_wait3A_222 = tpu.memref_slice %arg6[%dma_wait3A_220, %dma_wait3A_221] : memref<1024x32xf32, #tpu.memory_space<vmem>> -> memref<128x32xf32, #tpu.memory_space<vmem>>
    %dma_wait3A_223 = arith.constant 0 : i32
    %dma_wait3A_224 = tpu.memref_slice %arg5[%dma_wait3A_219, %dma_wait3A_223] : memref<80x128xi32, #tpu.memory_space<vmem>> -> memref<1x128xi32, #tpu.memory_space<vmem>>
    %dma_wait3A_225 = tpu.memref_squeeze %dma_wait3A_224 : memref<1x128xi32, #tpu.memory_space<vmem>> -> memref<128xi32, #tpu.memory_space<vmem>>
    %dma_wait3A_226 = arith.constant 0 : i32
    %dma_wait3A_227 = arith.constant 0 : i32
    %dma_wait3A_228 = tpu.memref_slice %arg3[%dma_wait3A_226, %dma_wait3A_227] : memref<1048576x32xf32, #tpu.memory_space<hbm>> -> memref<1048576x32xf32, #tpu.memory_space<hbm>>
    tpu.wait_indirect_dma semaphore(%arg8 : memref<!tpu.dma_semaphore, #tpu.memory_space<semaphore_mem>>) src(%dma_wait3A_228 : memref<1048576x32xf32, #tpu.memory_space<hbm>>) dst(%dma_wait3A_222 : memref<128x32xf32, #tpu.memory_space<vmem>>)
    %dma_wait3A_229 = arith.constant 6 : i32
    %dma_wait3A_230 = arith.constant 768 : i32
    %dma_wait3A_231 = arith.constant 0 : i32
    %dma_wait3A_232 = tpu.memref_slice %arg6[%dma_wait3A_230, %dma_wait3A_231] : memref<1024x32xf32, #tpu.memory_space<vmem>> -> memref<128x32xf32, #tpu.memory_space<vmem>>
    %dma_wait3A_233 = arith.constant 0 : i32
    %dma_wait3A_234 = tpu.memref_slice %arg5[%dma_wait3A_229, %dma_wait3A_233] : memref<80x128xi32, #tpu.memory_space<vmem>> -> memref<1x128xi32, #tpu.memory_space<vmem>>
    %dma_wait3A_235 = tpu.memref_squeeze %dma_wait3A_234 : memref<1x128xi32, #tpu.memory_space<vmem>> -> memref<128xi32, #tpu.memory_space<vmem>>
    %dma_wait3A_236 = arith.constant 0 : i32
    %dma_wait3A_237 = arith.constant 0 : i32
    %dma_wait3A_238 = tpu.memref_slice %arg3[%dma_wait3A_236, %dma_wait3A_237] : memref<1048576x32xf32, #tpu.memory_space<hbm>> -> memref<1048576x32xf32, #tpu.memory_space<hbm>>
    tpu.wait_indirect_dma semaphore(%arg8 : memref<!tpu.dma_semaphore, #tpu.memory_space<semaphore_mem>>) src(%dma_wait3A_238 : memref<1048576x32xf32, #tpu.memory_space<hbm>>) dst(%dma_wait3A_232 : memref<128x32xf32, #tpu.memory_space<vmem>>)
    %dma_wait3A_239 = arith.constant 7 : i32
    %dma_wait3A_240 = arith.constant 896 : i32
    %dma_wait3A_241 = arith.constant 0 : i32
    %dma_wait3A_242 = tpu.memref_slice %arg6[%dma_wait3A_240, %dma_wait3A_241] : memref<1024x32xf32, #tpu.memory_space<vmem>> -> memref<128x32xf32, #tpu.memory_space<vmem>>
    %dma_wait3A_243 = arith.constant 0 : i32
    %dma_wait3A_244 = tpu.memref_slice %arg5[%dma_wait3A_239, %dma_wait3A_243] : memref<80x128xi32, #tpu.memory_space<vmem>> -> memref<1x128xi32, #tpu.memory_space<vmem>>
    %dma_wait3A_245 = tpu.memref_squeeze %dma_wait3A_244 : memref<1x128xi32, #tpu.memory_space<vmem>> -> memref<128xi32, #tpu.memory_space<vmem>>
    %dma_wait3A_246 = arith.constant 0 : i32
    %dma_wait3A_247 = arith.constant 0 : i32
    %dma_wait3A_248 = tpu.memref_slice %arg3[%dma_wait3A_246, %dma_wait3A_247] : memref<1048576x32xf32, #tpu.memory_space<hbm>> -> memref<1048576x32xf32, #tpu.memory_space<hbm>>
    tpu.wait_indirect_dma semaphore(%arg8 : memref<!tpu.dma_semaphore, #tpu.memory_space<semaphore_mem>>) src(%dma_wait3A_248 : memref<1048576x32xf32, #tpu.memory_space<hbm>>) dst(%dma_wait3A_242 : memref<128x32xf32, #tpu.memory_space<vmem>>)
    %add3A_249 = arith.constant 8192 : i32
    %add3A_250 = arith.addi %mul3A_6, %add3A_249 : i32
    %dma_start3A_251 = arith.constant 0 : i32
    %dma_start3A_252 = tpu.memref_slice %arg4[%add3A_250, %dma_start3A_251] : memref<327680x32xf32, #tpu.memory_space<hbm>> -> memref<1024x32xf32, #tpu.memory_space<hbm>>
    %dma_start3A_253 = arith.constant 0 : i32
    %dma_start3A_254 = tpu.memref_slice %arg4[%add3A_250, %dma_start3A_253] : memref<327680x32xf32, #tpu.memory_space<hbm>> -> memref<1024x32xf32, #tpu.memory_space<hbm>>
    tpu.enqueue_dma source(%arg6 : memref<1024x32xf32, #tpu.memory_space<vmem>>) target(%dma_start3A_254 : memref<1024x32xf32, #tpu.memory_space<hbm>>) target_semaphore(%arg10 : memref<!tpu.dma_semaphore, #tpu.memory_space<semaphore_mem>>)
    %dma_wait3A_255 = arith.constant 0 : i32
    %dma_wait3A_256 = arith.constant 0 : i32
    %dma_wait3A_257 = arith.constant 0 : i32
    %dma_wait3A_258 = tpu.memref_slice %arg7[%dma_wait3A_256, %dma_wait3A_257] : memref<1024x32xf32, #tpu.memory_space<vmem>> -> memref<128x32xf32, #tpu.memory_space<vmem>>
    %dma_wait3A_259 = arith.constant 0 : i32
    %dma_wait3A_260 = tpu.memref_slice %arg5[%dma_wait3A_255, %dma_wait3A_259] : memref<80x128xi32, #tpu.memory_space<vmem>> -> memref<1x128xi32, #tpu.memory_space<vmem>>
    %dma_wait3A_261 = tpu.memref_squeeze %dma_wait3A_260 : memref<1x128xi32, #tpu.memory_space<vmem>> -> memref<128xi32, #tpu.memory_space<vmem>>
    %dma_wait3A_262 = arith.constant 0 : i32
    %dma_wait3A_263 = arith.constant 0 : i32
    %dma_wait3A_264 = tpu.memref_slice %arg3[%dma_wait3A_262, %dma_wait3A_263] : memref<1048576x32xf32, #tpu.memory_space<hbm>> -> memref<1048576x32xf32, #tpu.memory_space<hbm>>
    tpu.wait_indirect_dma semaphore(%arg9 : memref<!tpu.dma_semaphore, #tpu.memory_space<semaphore_mem>>) src(%dma_wait3A_264 : memref<1048576x32xf32, #tpu.memory_space<hbm>>) dst(%dma_wait3A_258 : memref<128x32xf32, #tpu.memory_space<vmem>>)
    %dma_wait3A_265 = arith.constant 1 : i32
    %dma_wait3A_266 = arith.constant 128 : i32
    %dma_wait3A_267 = arith.constant 0 : i32
    %dma_wait3A_268 = tpu.memref_slice %arg7[%dma_wait3A_266, %dma_wait3A_267] : memref<1024x32xf32, #tpu.memory_space<vmem>> -> memref<128x32xf32, #tpu.memory_space<vmem>>
    %dma_wait3A_269 = arith.constant 0 : i32
    %dma_wait3A_270 = tpu.memref_slice %arg5[%dma_wait3A_265, %dma_wait3A_269] : memref<80x128xi32, #tpu.memory_space<vmem>> -> memref<1x128xi32, #tpu.memory_space<vmem>>
    %dma_wait3A_271 = tpu.memref_squeeze %dma_wait3A_270 : memref<1x128xi32, #tpu.memory_space<vmem>> -> memref<128xi32, #tpu.memory_space<vmem>>
    %dma_wait3A_272 = arith.constant 0 : i32
    %dma_wait3A_273 = arith.constant 0 : i32
    %dma_wait3A_274 = tpu.memref_slice %arg3[%dma_wait3A_272, %dma_wait3A_273] : memref<1048576x32xf32, #tpu.memory_space<hbm>> -> memref<1048576x32xf32, #tpu.memory_space<hbm>>
    tpu.wait_indirect_dma semaphore(%arg9 : memref<!tpu.dma_semaphore, #tpu.memory_space<semaphore_mem>>) src(%dma_wait3A_274 : memref<1048576x32xf32, #tpu.memory_space<hbm>>) dst(%dma_wait3A_268 : memref<128x32xf32, #tpu.memory_space<vmem>>)
    %dma_wait3A_275 = arith.constant 2 : i32
    %dma_wait3A_276 = arith.constant 256 : i32
    %dma_wait3A_277 = arith.constant 0 : i32
    %dma_wait3A_278 = tpu.memref_slice %arg7[%dma_wait3A_276, %dma_wait3A_277] : memref<1024x32xf32, #tpu.memory_space<vmem>> -> memref<128x32xf32, #tpu.memory_space<vmem>>
    %dma_wait3A_279 = arith.constant 0 : i32
    %dma_wait3A_280 = tpu.memref_slice %arg5[%dma_wait3A_275, %dma_wait3A_279] : memref<80x128xi32, #tpu.memory_space<vmem>> -> memref<1x128xi32, #tpu.memory_space<vmem>>
    %dma_wait3A_281 = tpu.memref_squeeze %dma_wait3A_280 : memref<1x128xi32, #tpu.memory_space<vmem>> -> memref<128xi32, #tpu.memory_space<vmem>>
    %dma_wait3A_282 = arith.constant 0 : i32
    %dma_wait3A_283 = arith.constant 0 : i32
    %dma_wait3A_284 = tpu.memref_slice %arg3[%dma_wait3A_282, %dma_wait3A_283] : memref<1048576x32xf32, #tpu.memory_space<hbm>> -> memref<1048576x32xf32, #tpu.memory_space<hbm>>
    tpu.wait_indirect_dma semaphore(%arg9 : memref<!tpu.dma_semaphore, #tpu.memory_space<semaphore_mem>>) src(%dma_wait3A_284 : memref<1048576x32xf32, #tpu.memory_space<hbm>>) dst(%dma_wait3A_278 : memref<128x32xf32, #tpu.memory_space<vmem>>)
    %dma_wait3A_285 = arith.constant 3 : i32
    %dma_wait3A_286 = arith.constant 384 : i32
    %dma_wait3A_287 = arith.constant 0 : i32
    %dma_wait3A_288 = tpu.memref_slice %arg7[%dma_wait3A_286, %dma_wait3A_287] : memref<1024x32xf32, #tpu.memory_space<vmem>> -> memref<128x32xf32, #tpu.memory_space<vmem>>
    %dma_wait3A_289 = arith.constant 0 : i32
    %dma_wait3A_290 = tpu.memref_slice %arg5[%dma_wait3A_285, %dma_wait3A_289] : memref<80x128xi32, #tpu.memory_space<vmem>> -> memref<1x128xi32, #tpu.memory_space<vmem>>
    %dma_wait3A_291 = tpu.memref_squeeze %dma_wait3A_290 : memref<1x128xi32, #tpu.memory_space<vmem>> -> memref<128xi32, #tpu.memory_space<vmem>>
    %dma_wait3A_292 = arith.constant 0 : i32
    %dma_wait3A_293 = arith.constant 0 : i32
    %dma_wait3A_294 = tpu.memref_slice %arg3[%dma_wait3A_292, %dma_wait3A_293] : memref<1048576x32xf32, #tpu.memory_space<hbm>> -> memref<1048576x32xf32, #tpu.memory_space<hbm>>
    tpu.wait_indirect_dma semaphore(%arg9 : memref<!tpu.dma_semaphore, #tpu.memory_space<semaphore_mem>>) src(%dma_wait3A_294 : memref<1048576x32xf32, #tpu.memory_space<hbm>>) dst(%dma_wait3A_288 : memref<128x32xf32, #tpu.memory_space<vmem>>)
    %dma_wait3A_295 = arith.constant 4 : i32
    %dma_wait3A_296 = arith.constant 512 : i32
    %dma_wait3A_297 = arith.constant 0 : i32
    %dma_wait3A_298 = tpu.memref_slice %arg7[%dma_wait3A_296, %dma_wait3A_297] : memref<1024x32xf32, #tpu.memory_space<vmem>> -> memref<128x32xf32, #tpu.memory_space<vmem>>
    %dma_wait3A_299 = arith.constant 0 : i32
    %dma_wait3A_300 = tpu.memref_slice %arg5[%dma_wait3A_295, %dma_wait3A_299] : memref<80x128xi32, #tpu.memory_space<vmem>> -> memref<1x128xi32, #tpu.memory_space<vmem>>
    %dma_wait3A_301 = tpu.memref_squeeze %dma_wait3A_300 : memref<1x128xi32, #tpu.memory_space<vmem>> -> memref<128xi32, #tpu.memory_space<vmem>>
    %dma_wait3A_302 = arith.constant 0 : i32
    %dma_wait3A_303 = arith.constant 0 : i32
    %dma_wait3A_304 = tpu.memref_slice %arg3[%dma_wait3A_302, %dma_wait3A_303] : memref<1048576x32xf32, #tpu.memory_space<hbm>> -> memref<1048576x32xf32, #tpu.memory_space<hbm>>
    tpu.wait_indirect_dma semaphore(%arg9 : memref<!tpu.dma_semaphore, #tpu.memory_space<semaphore_mem>>) src(%dma_wait3A_304 : memref<1048576x32xf32, #tpu.memory_space<hbm>>) dst(%dma_wait3A_298 : memref<128x32xf32, #tpu.memory_space<vmem>>)
    %dma_wait3A_305 = arith.constant 5 : i32
    %dma_wait3A_306 = arith.constant 640 : i32
    %dma_wait3A_307 = arith.constant 0 : i32
    %dma_wait3A_308 = tpu.memref_slice %arg7[%dma_wait3A_306, %dma_wait3A_307] : memref<1024x32xf32, #tpu.memory_space<vmem>> -> memref<128x32xf32, #tpu.memory_space<vmem>>
    %dma_wait3A_309 = arith.constant 0 : i32
    %dma_wait3A_310 = tpu.memref_slice %arg5[%dma_wait3A_305, %dma_wait3A_309] : memref<80x128xi32, #tpu.memory_space<vmem>> -> memref<1x128xi32, #tpu.memory_space<vmem>>
    %dma_wait3A_311 = tpu.memref_squeeze %dma_wait3A_310 : memref<1x128xi32, #tpu.memory_space<vmem>> -> memref<128xi32, #tpu.memory_space<vmem>>
    %dma_wait3A_312 = arith.constant 0 : i32
    %dma_wait3A_313 = arith.constant 0 : i32
    %dma_wait3A_314 = tpu.memref_slice %arg3[%dma_wait3A_312, %dma_wait3A_313] : memref<1048576x32xf32, #tpu.memory_space<hbm>> -> memref<1048576x32xf32, #tpu.memory_space<hbm>>
    tpu.wait_indirect_dma semaphore(%arg9 : memref<!tpu.dma_semaphore, #tpu.memory_space<semaphore_mem>>) src(%dma_wait3A_314 : memref<1048576x32xf32, #tpu.memory_space<hbm>>) dst(%dma_wait3A_308 : memref<128x32xf32, #tpu.memory_space<vmem>>)
    %dma_wait3A_315 = arith.constant 6 : i32
    %dma_wait3A_316 = arith.constant 768 : i32
    %dma_wait3A_317 = arith.constant 0 : i32
    %dma_wait3A_318 = tpu.memref_slice %arg7[%dma_wait3A_316, %dma_wait3A_317] : memref<1024x32xf32, #tpu.memory_space<vmem>> -> memref<128x32xf32, #tpu.memory_space<vmem>>
    %dma_wait3A_319 = arith.constant 0 : i32
    %dma_wait3A_320 = tpu.memref_slice %arg5[%dma_wait3A_315, %dma_wait3A_319] : memref<80x128xi32, #tpu.memory_space<vmem>> -> memref<1x128xi32, #tpu.memory_space<vmem>>
    %dma_wait3A_321 = tpu.memref_squeeze %dma_wait3A_320 : memref<1x128xi32, #tpu.memory_space<vmem>> -> memref<128xi32, #tpu.memory_space<vmem>>
    %dma_wait3A_322 = arith.constant 0 : i32
    %dma_wait3A_323 = arith.constant 0 : i32
    %dma_wait3A_324 = tpu.memref_slice %arg3[%dma_wait3A_322, %dma_wait3A_323] : memref<1048576x32xf32, #tpu.memory_space<hbm>> -> memref<1048576x32xf32, #tpu.memory_space<hbm>>
    tpu.wait_indirect_dma semaphore(%arg9 : memref<!tpu.dma_semaphore, #tpu.memory_space<semaphore_mem>>) src(%dma_wait3A_324 : memref<1048576x32xf32, #tpu.memory_space<hbm>>) dst(%dma_wait3A_318 : memref<128x32xf32, #tpu.memory_space<vmem>>)
    %dma_wait3A_325 = arith.constant 7 : i32
    %dma_wait3A_326 = arith.constant 896 : i32
    %dma_wait3A_327 = arith.constant 0 : i32
    %dma_wait3A_328 = tpu.memref_slice %arg7[%dma_wait3A_326, %dma_wait3A_327] : memref<1024x32xf32, #tpu.memory_space<vmem>> -> memref<128x32xf32, #tpu.memory_space<vmem>>
    %dma_wait3A_329 = arith.constant 0 : i32
    %dma_wait3A_330 = tpu.memref_slice %arg5[%dma_wait3A_325, %dma_wait3A_329] : memref<80x128xi32, #tpu.memory_space<vmem>> -> memref<1x128xi32, #tpu.memory_space<vmem>>
    %dma_wait3A_331 = tpu.memref_squeeze %dma_wait3A_330 : memref<1x128xi32, #tpu.memory_space<vmem>> -> memref<128xi32, #tpu.memory_space<vmem>>
    %dma_wait3A_332 = arith.constant 0 : i32
    %dma_wait3A_333 = arith.constant 0 : i32
    %dma_wait3A_334 = tpu.memref_slice %arg3[%dma_wait3A_332, %dma_wait3A_333] : memref<1048576x32xf32, #tpu.memory_space<hbm>> -> memref<1048576x32xf32, #tpu.memory_space<hbm>>
    tpu.wait_indirect_dma semaphore(%arg9 : memref<!tpu.dma_semaphore, #tpu.memory_space<semaphore_mem>>) src(%dma_wait3A_334 : memref<1048576x32xf32, #tpu.memory_space<hbm>>) dst(%dma_wait3A_328 : memref<128x32xf32, #tpu.memory_space<vmem>>)
    %add3A_335 = arith.constant 9216 : i32
    %add3A_336 = arith.addi %mul3A_6, %add3A_335 : i32
    %dma_start3A_337 = arith.constant 0 : i32
    %dma_start3A_338 = tpu.memref_slice %arg4[%add3A_336, %dma_start3A_337] : memref<327680x32xf32, #tpu.memory_space<hbm>> -> memref<1024x32xf32, #tpu.memory_space<hbm>>
    %dma_start3A_339 = arith.constant 0 : i32
    %dma_start3A_340 = tpu.memref_slice %arg4[%add3A_336, %dma_start3A_339] : memref<327680x32xf32, #tpu.memory_space<hbm>> -> memref<1024x32xf32, #tpu.memory_space<hbm>>
    tpu.enqueue_dma source(%arg7 : memref<1024x32xf32, #tpu.memory_space<vmem>>) target(%dma_start3A_340 : memref<1024x32xf32, #tpu.memory_space<hbm>>) target_semaphore(%arg11 : memref<!tpu.dma_semaphore, #tpu.memory_space<semaphore_mem>>)
    %add3A_341 = arith.constant 8192 : i32
    %add3A_342 = arith.addi %mul3A_6, %add3A_341 : i32
    %dma_wait3A_343 = arith.constant 0 : i32
    %dma_wait3A_344 = tpu.memref_slice %arg4[%add3A_342, %dma_wait3A_343] : memref<327680x32xf32, #tpu.memory_space<hbm>> -> memref<1024x32xf32, #tpu.memory_space<hbm>>
    %dma_wait3A_345 = arith.constant 0 : i32
    %dma_wait3A_346 = tpu.memref_slice %arg4[%add3A_342, %dma_wait3A_345] : memref<327680x32xf32, #tpu.memory_space<hbm>> -> memref<1024x32xf32, #tpu.memory_space<hbm>>
    tpu.wait_dma2 semaphore(%arg10 : memref<!tpu.dma_semaphore, #tpu.memory_space<semaphore_mem>>) src(%arg6 : memref<1024x32xf32, #tpu.memory_space<vmem>>) dst(%dma_wait3A_346 : memref<1024x32xf32, #tpu.memory_space<hbm>>)
    %add3A_347 = arith.constant 9216 : i32
    %add3A_348 = arith.addi %mul3A_6, %add3A_347 : i32
    %dma_wait3A_349 = arith.constant 0 : i32
    %dma_wait3A_350 = tpu.memref_slice %arg4[%add3A_348, %dma_wait3A_349] : memref<327680x32xf32, #tpu.memory_space<hbm>> -> memref<1024x32xf32, #tpu.memory_space<hbm>>
    %dma_wait3A_351 = arith.constant 0 : i32
    %dma_wait3A_352 = tpu.memref_slice %arg4[%add3A_348, %dma_wait3A_351] : memref<327680x32xf32, #tpu.memory_space<hbm>> -> memref<1024x32xf32, #tpu.memory_space<hbm>>
    tpu.wait_dma2 semaphore(%arg11 : memref<!tpu.dma_semaphore, #tpu.memory_space<semaphore_mem>>) src(%arg7 : memref<1024x32xf32, #tpu.memory_space<vmem>>) dst(%dma_wait3A_352 : memref<1024x32xf32, #tpu.memory_space<hbm>>)
    return
  }
}

module attributes {stable_mosaic.version = 14 : i64} {
  func.func @_relayout_body(%arg0: i32, %arg1: memref<32x8192xf32, #tpu.memory_space<vmem>>, %arg2: memref<32x8192xf32, #tpu.memory_space<vmem>>, %arg3: memref<32x8192xf32, #tpu.memory_space<vmem>>, %arg4: memref<32x8192xf32, #tpu.memory_space<vmem>>, %arg5: memref<8192x128xf32, #tpu.memory_space<vmem>>) attributes {dimension_semantics = [#tpu.dimension_semantics<arbitrary>], iteration_bounds = array<i64: 32>, scalar_prefetch = 0 : i64, scratch_operands = 0 : i64, tpu.core_type = #tpu.core_type<tc>, window_params = [{transform_indices = @transform_0, window_bounds = array<i64: 32, 8192>}, {transform_indices = @transform_1, window_bounds = array<i64: 32, 8192>}, {transform_indices = @transform_2, window_bounds = array<i64: 32, 8192>}, {transform_indices = @transform_3, window_bounds = array<i64: 32, 8192>}, {transform_indices = @transform_4, window_bounds = array<i64: 8192, 128>}]} {
    %get3A = arith.constant 0 : index
    %get3A_0 = arith.constant 0 : index
    %get3A_1 = vector.load %arg1[%get3A, %get3A_0] : memref<32x8192xf32, #tpu.memory_space<vmem>>, vector<32x8192xf32>
    %transpose3A = tpu.transpose %get3A_1, [1, 0] : vector<32x8192xf32> -> vector<8192x32xf32>
    %mul3A = arith.constant 5.65685415 : f32
    %mul3A_2 = vector.broadcast %mul3A : f32 to vector<8192x32xf32>
    %mul3A_3 = arith.mulf %transpose3A, %mul3A_2 : vector<8192x32xf32>
    %swap3A = arith.constant 0 : index
    %swap3A_4 = arith.constant 0 : index
    %swap3A_5 = vector.load %arg5[%swap3A, %swap3A_4] : memref<8192x128xf32, #tpu.memory_space<vmem>>, vector<8192x32xf32>
    tpu.vector_store %arg5[%swap3A, %swap3A_4], %mul3A_3 {strides = array<i32>} : memref<8192x128xf32, #tpu.memory_space<vmem>>, vector<8192x32xf32>,
    %get3A_6 = arith.constant 0 : index
    %get3A_7 = arith.constant 0 : index
    %get3A_8 = vector.load %arg2[%get3A_6, %get3A_7] : memref<32x8192xf32, #tpu.memory_space<vmem>>, vector<32x8192xf32>
    %transpose3A_9 = tpu.transpose %get3A_8, [1, 0] : vector<32x8192xf32> -> vector<8192x32xf32>
    %mul3A_10 = arith.constant 5.65685415 : f32
    %mul3A_11 = vector.broadcast %mul3A_10 : f32 to vector<8192x32xf32>
    %mul3A_12 = arith.mulf %transpose3A_9, %mul3A_11 : vector<8192x32xf32>
    %swap3A_13 = arith.constant 0 : index
    %swap3A_14 = arith.constant 32 : index
    %swap3A_15 = vector.load %arg5[%swap3A_13, %swap3A_14] : memref<8192x128xf32, #tpu.memory_space<vmem>>, vector<8192x32xf32>
    tpu.vector_store %arg5[%swap3A_13, %swap3A_14], %mul3A_12 {strides = array<i32>} : memref<8192x128xf32, #tpu.memory_space<vmem>>, vector<8192x32xf32>,
    %get3A_16 = arith.constant 0 : index
    %get3A_17 = arith.constant 0 : index
    %get3A_18 = vector.load %arg3[%get3A_16, %get3A_17] : memref<32x8192xf32, #tpu.memory_space<vmem>>, vector<32x8192xf32>
    %transpose3A_19 = tpu.transpose %get3A_18, [1, 0] : vector<32x8192xf32> -> vector<8192x32xf32>
    %mul3A_20 = arith.constant 5.65685415 : f32
    %mul3A_21 = vector.broadcast %mul3A_20 : f32 to vector<8192x32xf32>
    %mul3A_22 = arith.mulf %transpose3A_19, %mul3A_21 : vector<8192x32xf32>
    %swap3A_23 = arith.constant 0 : index
    %swap3A_24 = arith.constant 64 : index
    %swap3A_25 = vector.load %arg5[%swap3A_23, %swap3A_24] : memref<8192x128xf32, #tpu.memory_space<vmem>>, vector<8192x32xf32>
    tpu.vector_store %arg5[%swap3A_23, %swap3A_24], %mul3A_22 {strides = array<i32>} : memref<8192x128xf32, #tpu.memory_space<vmem>>, vector<8192x32xf32>,
    %get3A_26 = arith.constant 0 : index
    %get3A_27 = arith.constant 0 : index
    %get3A_28 = vector.load %arg4[%get3A_26, %get3A_27] : memref<32x8192xf32, #tpu.memory_space<vmem>>, vector<32x8192xf32>
    %transpose3A_29 = tpu.transpose %get3A_28, [1, 0] : vector<32x8192xf32> -> vector<8192x32xf32>
    %mul3A_30 = arith.constant 5.65685415 : f32
    %mul3A_31 = vector.broadcast %mul3A_30 : f32 to vector<8192x32xf32>
    %mul3A_32 = arith.mulf %transpose3A_29, %mul3A_31 : vector<8192x32xf32>
    %swap3A_33 = arith.constant 0 : index
    %swap3A_34 = arith.constant 96 : index
    %swap3A_35 = vector.load %arg5[%swap3A_33, %swap3A_34] : memref<8192x128xf32, #tpu.memory_space<vmem>>, vector<8192x32xf32>
    tpu.vector_store %arg5[%swap3A_33, %swap3A_34], %mul3A_32 {strides = array<i32>} : memref<8192x128xf32, #tpu.memory_space<vmem>>, vector<8192x32xf32>,
    return
  }
  func.func @transform_0(%arg0: i32) -> (i32, i32) {
    %add3A = arith.constant 0 : i32
    %add3A_0 = arith.addi %add3A, %arg0 : i32
    %min3A = arith.constant 122 : i32
    %min3A_1 = arith.minsi %add3A_0, %min3A : i32
    %c0_i32 = arith.constant 0 : i32
    %c0_i32_2 = arith.constant 0 : i32
    return %c0_i32, %min3A_1 : i32, i32
  }
  func.func @transform_1(%arg0: i32) -> (i32, i32) {
    %add3A = arith.constant 32 : i32
    %add3A_0 = arith.addi %add3A, %arg0 : i32
    %min3A = arith.constant 122 : i32
    %min3A_1 = arith.minsi %add3A_0, %min3A : i32
    %c0_i32 = arith.constant 0 : i32
    %c0_i32_2 = arith.constant 0 : i32
    return %c0_i32, %min3A_1 : i32, i32
  }
  func.func @transform_2(%arg0: i32) -> (i32, i32) {
    %add3A = arith.constant 64 : i32
    %add3A_0 = arith.addi %add3A, %arg0 : i32
    %min3A = arith.constant 122 : i32
    %min3A_1 = arith.minsi %add3A_0, %min3A : i32
    %c0_i32 = arith.constant 0 : i32
    %c0_i32_2 = arith.constant 0 : i32
    return %c0_i32, %min3A_1 : i32, i32
  }
  func.func @transform_3(%arg0: i32) -> (i32, i32) {
    %add3A = arith.constant 96 : i32
    %add3A_0 = arith.addi %add3A, %arg0 : i32
    %min3A = arith.constant 122 : i32
    %min3A_1 = arith.minsi %add3A_0, %min3A : i32
    %c0_i32 = arith.constant 0 : i32
    %c0_i32_2 = arith.constant 0 : i32
    return %c0_i32, %min3A_1 : i32, i32
  }
  func.func @transform_4(%arg0: i32) -> (i32, i32) {
    %c0_i32 = arith.constant 0 : i32
    %c0_i32_0 = arith.constant 0 : i32
    return %arg0, %c0_i32 : i32, i32
  }
}

</mosaic_0001>

<sc_bundles>
// kernel: kernel.4.cloned.1.call-start
scs
__scs_entry_jumppad:
0x0: {  	(pc) =	sbr.rel $0x88, $3  }
0x1: {  	(tag) =	ssettag $0x0;
	lr =	simm.s32 $0x1  }
0x2: {  	[smem:$0x3F9F] =	sst lr;
	_ =	strace $0xD0000000  }
0x3: {  	_ = 	snop  }
0x4: {  	_ = 	snop  }
0x5: {  	_ = 	snop  }
0x6: {  	_ = 	snop  }
0x7: {  	_ = 	snop  }
__scs_overlays_trampoline_lowered:
0x8: {  	[smem:$0x3FAE] =	sst s0  }
0x9: {  	[smem:$0x3FAF] =	sst s1  }
0xa: {  	[smem:$0x3FB0] =	sst s2  }
0xb: {  	[smem:$0x3FB1] =	sst s3  }
0xc: {  	[smem:$0x3FB2] =	sst s4  }
0xd: {  	[smem:$0x3FB3] =	sst s5  }
0xe: {  	[smem:$0x3FB4] =	sst s6  }
0xf: {  	[smem:$0x3FB5] =	sst s7  }
0x10: {  	[smem:$0x3FB6] =	sst s8  }
0x11: {  	[smem:$0x3FB7] =	sst s9;
	s0 =	simm.s32 @!p0 $0x0  }
0x12: {  	s1 =	sld [smem:$0x3F9D];
	s0 =	simm.s32 @p0 $0x1  }
0x13: {  	[smem:$0x3FB8] =	sst s0;
	s0 =	simm.s32 @!p1 $0x0  }
0x14: {  	s2 =	sld [smem:$0x3F9C];
	s0 =	simm.s32 @p1 $0x1  }
0x15: {  	[smem:$0x3FB9] =	sst s0;
	s0 =	simm.s32 @!p2 $0x0  }
0x16: {  	s3 =	sld [smem:$0x3FDB];
	s0 =	simm.s32 @p2 $0x1  }
0x17: {  	s4 =	simm.s32 $0x1BF5;
	[smem:$0x3FBB] =	sst s0  }
0x18: {  	s0 =	sld [smem:$0x3F9E];
	_ =	swait.ge [sflag:s4], $0x0  }
0x19: {  	s7 =	sld [smem:$0x3F9F]  }
0x1a: {  	s8 =	sadd.s32 $0xFFFFE003, lr  }
0x1b: {  	s9 =	sadd.s32 $0xFFFFFEF7, lr;
	s5 =	simm.s32 $0xFFFFFFFF;
	p2 =	slt.u32 s8, $0xFFFFF086  }
0x1c: {  	p1 =	slt.u32 s9, $0xF7A;
	s5 =	simm.s32 @!p2 $0x0  }
0x1d: {  	s5 =	simm.s32 @p1 $0x1;
	p0 =	seq.s32 s7, s2  }
0x1e: {  	s7 =	smul.u32 @!p0 $0xF7A, s2;
	p2 =	seq.s32 @!p0 s5, $0x0  }
0x1f: {  	s9 =	smul.u32 $0xF7A, s1;
	s8 =	simm.s32 @!p0 $0x1BF5;
	p2 =	por !p2, p0  }
0x20: {  	[sflag:s8] =	ssyncset.s32 @!p0 $0xFFFFF086;
	s6 =	sadd.s32 @!p0 s3, s7;
	s7 =	simm.s32 @!p0 $0x108  }
0x21: {  	s3 =	sadd.s32 s3, s9;
	s6 =	sadd.s32 @!p0 $0x88, s6;
	s7 =	simm.s32 @p2 $0x1082  }
0x22: {  	[simem:s7], [sflag:s8] =	dma.local @!p0 [hbm:s6], $0xF7A  }
0x23: {  	s9 =	sor.u32 $0xD0000000, s2;
	s6 =	simm.s32 $0x108;
	_ =	swait.ge @!p0 [sflag:s8], $0x0  }
0x24: {  	s3 =	sadd.s32 $0x88, s3;
	s6 =	simm.s32 @!p1 $0x1082;
	[sflag:s4] =	ssyncset.s32 $0xFFFFF086  }
0x25: {  	[simem:s6], [sflag:s4] =	dma.local [hbm:s3], $0xF7A  }
0x26: {  	[smem:$0x3F9F] =	sst s1;
	(tag) =	ssettag s2;
	_ =	strace s9  }
0x27: {  	s1 =	sld [smem:$0x3FAF]  }
0x28: {  	s2 =	sld [smem:$0x3FB0]  }
0x29: {  	s4 =	sld [smem:$0x3FB2]  }
0x2a: {  	p0 =	seq.s32 s5, $0x0;
	s5 =	sld [smem:$0x3FB3]  }
0x2b: {  	s6 =	sld [smem:$0x3FB4]  }
0x2c: {  	s7 =	sld [smem:$0x3FB5]  }
0x2d: {  	s3 =	simm.s32 $0x108;
	s8 =	sld [smem:$0x3FB6]  }
0x2e: {  	s3 =	simm.s32 @!p0 $0x1082;
	s9 =	sld [smem:$0x3FB7]  }
0x2f: {  	lr =	sadd.s32 s0, s3;
	s0 =	sld [smem:$0x3FAE]  }
0x30: {  	s3 =	sld [smem:$0x3FB1]  }
0x31: {  	[smem:$0x3FBA] =	sst s10  }
0x32: {  	s10 =	sld [smem:$0x3FB8];
	_ =	sdelay $0x3  }
0x33: {  	p0 =	seq.s32 s10, $0x1;
	s10 =	sld [smem:$0x3FBA];
	_ =	sdelay $0x3  }
0x34: {  	[smem:$0x3FBA] =	sst s10  }
0x35: {  	s10 =	sld [smem:$0x3FB9];
	_ =	sdelay $0x3  }
0x36: {  	p1 =	seq.s32 s10, $0x1;
	s10 =	sld [smem:$0x3FBA];
	_ =	sdelay $0x3  }
0x37: {  	[smem:$0x3FBA] =	sst s10  }
0x38: {  	s10 =	sld [smem:$0x3FBB]  }
0x39: {  	_ = 	snop;
	(pc) =	sbr.ind lr, $3  }
0x3a: {  	_ = 	snop  }
0x3b: {  	_ = 	snop  }
0x3c: {  	p2 =	seq.s32 s10, $0x1;
	s10 =	sld [smem:$0x3FBA]  }
0x3d: {  	_ =	shalt  }
0x3e: {  	_ =	shalt  }
0x3f: {  	_ =	shalt  }
0x40: {  	_ =	shalt  }
0x41: {  	_ =	shalt  }
0x42: {  	_ =	shalt  }
0x43: {  	_ =	shalt  }
0x44: {  	_ =	shalt  }
0x45: {  	_ =	shalt  }
0x46: {  	_ =	shalt  }
0x47: {  	_ =	shalt  }
0x48: {  	_ =	shalt  }
0x49: {  	_ =	shalt  }
0x4a: {  	_ =	shalt  }
0x4b: {  	_ =	shalt  }
0x4c: {  	_ =	shalt  }
0x4d: {  	_ =	shalt  }
0x4e: {  	_ =	shalt  }
0x4f: {  	_ =	shalt  }
0x50: {  	_ =	shalt  }
0x51: {  	_ =	shalt  }
0x52: {  	_ =	shalt  }
0x53: {  	_ =	shalt  }
0x54: {  	_ =	shalt  }
0x55: {  	_ =	shalt  }
0x56: {  	_ =	shalt  }
0x57: {  	_ =	shalt  }
0x58: {  	_ =	shalt  }
0x59: {  	_ =	shalt  }
0x5a: {  	_ =	shalt  }
0x5b: {  	_ =	shalt  }
0x5c: {  	_ =	shalt  }
0x5d: {  	_ =	shalt  }
0x5e: {  	_ =	shalt  }
0x5f: {  	_ =	shalt  }
0x60: {  	_ =	shalt  }
0x61: {  	_ =	shalt  }
0x62: {  	_ =	shalt  }
0x63: {  	_ =	shalt  }
0x64: {  	_ =	shalt  }
0x65: {  	_ =	shalt  }
0x66: {  	_ =	shalt  }
0x67: {  	_ =	shalt  }
0x68: {  	_ =	shalt  }
0x69: {  	_ =	shalt  }
0x6a: {  	_ =	shalt  }
0x6b: {  	_ =	shalt  }
0x6c: {  	_ =	shalt  }
0x6d: {  	_ =	shalt  }
0x6e: {  	_ =	shalt  }
0x6f: {  	_ =	shalt  }
0x70: {  	_ =	shalt  }
0x71: {  	_ =	shalt  }
0x72: {  	_ =	shalt  }
0x73: {  	_ =	shalt  }
0x74: {  	_ =	shalt  }
0x75: {  	_ =	shalt  }
0x76: {  	_ =	shalt  }
0x77: {  	_ =	shalt  }
0x78: {  	_ =	shalt  }
0x79: {  	_ =	shalt  }
0x7a: {  	_ =	shalt  }
0x7b: {  	_ =	shalt  }
0x7c: {  	_ =	shalt  }
0x7d: {  	_ =	shalt  }
0x7e: {  	_ =	shalt  }
0x7f: {  	_ =	shalt  }
0x80: {  	_ =	shalt  }
0x81: {  	_ =	shalt  }
0x82: {  	_ =	shalt  }
0x83: {  	_ =	shalt  }
0x84: {  	_ =	shalt  }
0x85: {  	_ =	shalt  }
0x86: {  	_ =	shalt  }
0x87: {  	_ =	shalt  }
.Lfunc_end0:
.L_simem_size_0:
called_computation.1_lowered:
.L_overlay_start_0:
0x88: {  	s2 =	sld [smem:$0x3FD9]  }
0x89: {  	s3 =	sld [smem:$0x3FFE];
	_ =	sdelay $0x1  }
0x8a: {  	s1 =	srdreg.scid  }
0x8b: {  	s0 =	sand.u32 $0x1, s1  }
0x8c: {  	s17 =	sshll.u32 s0, $0xA;
	s2 =	sadd.s32 s3, s2  }
0x8d: {  	s2 =	sadd.s32 s2, s17  }
0x8e: {  	[smem:$0x3FC6] =	sst s2  }
0x8f: {  	_ = 	snop  }
0x90: {  	s2 =	sld [smem:$0x3FD0];
	(tm) =	ssettm $0x1  }
0x91: {  	s18 =	sld [smem:$0x3FFB];
	_ =	sdelay $0x3  }
0x92: {  	_ =	strace s18  }
0x93: {  	s3 =	sld [smem:$0x3FFC];
	_ =	sdelay $0x3  }
0x94: {  	_ =	strace s3  }
0x95: {  	s3 =	sld [smem:$0x3FFD];
	_ =	sdelay $0x3  }
0x96: {  	_ =	strace s3  }
0x97: {  	_ =	strace $0x8FFFFFFF  }
0x98: {  	s19 =	sld [smem:$0x3FDB];
	_ =	sdelay $0x1  }
0x99: {  	s4 =	simm.s32 $_scs_section_size  }
0x9a: {  	s5 =	simm.s32 $_size__tile_overlayer_lowered;
	s6 =	simm.s32 $_tile_overlayer_lowered  }
0x9b: {  	s22 =	simm.s32 $0x1BFF;
	s21 =	sshll.u32 s6, $0x1;
	s3 =	sadd.s32 s4, s19  }
0x9c: {  	s7 =	simm.s32 $0x0;
	s20 =	sshll.u32 s5, $0x1;
	s5 =	sadd.s32 s21, s3  }
0x9d: {  	[timem:s7], [sflag:s22] =	dma.local [hbm:s5], s20  }
0x9e: {  	_ =	swait.ge [sflag:s22], s20  }
0x9f: {  	s4 =	ssub.s32 $0x0, s20;
	[sflag:s22] =	ssyncset.done $0x0  }
0xa0: {  	[sflag:s22] =	ssyncadd.s32 s4;
	_ =	sdelay $0x1  }
0xa1: {  	s23 =	simm.s32 $0x1B8B  }
0xa2: {  	_ =	swait.ge [sflag:s23], $0x1  }
0xa3: {  	[sflag:s23] =	ssyncset.done $0x0  }
0xa4: {  	s25 =	simm.s32 $0x1B8E;
	s24 =	sld [smem:$0x3FFE];
	[sflag:s23] =	ssyncadd.s32 $0xFFFFFFFF  }
0xa5: {  	s26 =	simm.s32 $execute0_lowered;
	[smem:$0x3FD2] =	sst s25  }
0xa6: {  	s5 =	sshll.u32 s26, $0x1;
	_ =	strace $0x80000046;
	[dreg:$0x1] =	wrdreg $0xFFFFFFFF  }
0xa7: {  	s28 =	simm.s32 $_size_execute0_lowered;
	s3 =	sadd.s32 s3, s5;
	[dreg:$0x0] =	wrdreg $0x0  }
0xa8: {  	s5 =	sshll.u32 s28, $0x1;
	[dreg:$0x2] =	wrdreg s3  }
0xa9: {  	[dreg:$0x3] =	wrdreg s5  }
0xaa: {  	[dreg:$0x4] =	wrdreg $0xC0  }
0xab: {  	_ =	task [dreg:s7], $0x5FFFF  }
0xac: {  	[dreg:$0x1] =	wrdreg $0xFFFFFFFF  }
0xad: {  	[dreg:$0x0] =	wrdreg $0x60  }
0xae: {  	[dreg:$0x2] =	wrdreg s24  }
0xaf: {  	[dreg:$0x3] =	wrdreg s2  }
0xb0: {  	[dreg:$0x4] =	wrdreg $0x9  }
0xb1: {  	_ =	task.clear_ibuf [dreg:s7], $0x5FFFF;
	_ =	strace $0x90000046  }
0xb2: {  	s29 =	simm.s32 $0x9;
	_ =	strace $0x80000048  }
0xb3: {  	_ =	swait.ge [sflag:s29], $0x1  }
0xb4: {  	[sflag:s29] =	ssyncadd.s32 $0xFFFFFFFF  }
0xb5: {  	_ =	strace $0x90000048  }
0xb6: {  	_ =	sfence  }
0xb7: {  	s30 =	sld [smem:$0x0];
	_ =	sdelay $0x2  }
0xb8: {  	s31 =	sshll.u32 s1, $0xD;
	s1 =	sshrl.u32 s1, $0x2  }
0xb9: {  	s3 =	sand.u32 $0x4000, s31;
	s1 =	sadd.s32 s1, s30  }
0xba: {  	s0 =	sor.u32 s3, s0;
	s1 =	sshll.u32 s1, $0x11  }
0xbb: {  	s0 =	sor.u32 s1, s0  }
0xbc: {  	s0 =	sadd.s32 $0x8F2B, s0  }
0xbd: {  	[sflag:s0] =	ssyncadd.remote.s32 $0x1  }
0xbe: {  	_ =	sfence.sel $0xFFFF  }
0xbf: {  	[dreg:$0x0] =	wrdreg $0xFFFFFFFF;
	(pc) =	sbr.abs _section_cstart, $3  }
0xc0: {  	[dreg:$0x1] =	wrdreg $0xFFFFFFFF  }
0xc1: {  	_ =	task.clear_ibuf [dreg:s7], $0x2FFFF;
	_ =	strace $0x9FFFFFFF  }
0xc2: {  	(tm) =	ssettm $0x7FFFFFFF  }
0xc3: {  	_ =	shalt  }
tec
execute0_lowered:
.L_overlay_start_1:
0x0: {  	(tag) =	ssettag $0x1  }
0x1: {  	s0 =	srdreg.scid;
	s3 =	rddreg [dreg:$0x0]  }
0x2: {  	s10 =	stileid.u32;
	s7 =	rddreg [dreg:$0x1];
	s2 =	simm.s32 $0x0  }
0x3: {  	s11 =	simm.s32 $0x3800;
	s13 =	simm.s32 $0x4800;
	s15 =	simm.s32 $0x5800  }
0x4: {  	s17 =	simm.s32 $0x6800;
	s19 =	simm.s32 $0x7800;
	s21 =	simm.s32 $0x8800  }
0x5: {  	s23 =	simm.s32 $0x9800;
	s25 =	simm.s32 $0xA800;
	s28 =	simm.s32 $0xB800  }
0x6: {  	s30 =	simm.s32 $0xC800;
	s12 =	simm.s32 $0xE800;
	s16 =	simm.s32 $0xF800  }
0x7: {  	s20 =	simm.s32 $0x10800;
	s24 =	simm.s32 $0x11800;
	s29 =	simm.s32 $0x2  }
0x8: {  	s31 =	simm.s32 $0x3;
	s14 =	simm.s32 $0x0;
	s5 =	smul.u32 $0x14000, s10  }
0x9: {  	s0 =	sand.u32 $0x1, s0;
	s1 =	sshll.u32 s10, $0x1;
	s10 =	smul.u32 $0xA0000, s10  }
0xa: {  	[smem:$0x7FF] =	sst s2;
	s1 =	sor.u32 s0, s1;
	s8 =	smul.u32 $0xA000, s0  }
0xb: {  	_ =	strace $0x80000047;
	s6 =	ssub.s32 $0x2, s0;
	s0 =	smul.u32 $0x50000, s0  }
0xc: {  	s4 =	smul.u32 $0x500, s1;
	s9 =	sshrl.u32 s6, $0x1;
	s5 =	sadd.s32 s5, s7  }
0xd: {  	s1 =	smul.u32 $0x50000, s1;
	s9 =	ssub.s32 s6, s9;
	s26 =	sadd.s32 s8, s5  }
0xe: {  	s0 =	sadd.s32 s0, s10;
	s10 =	simm.s32 $0x2800;
	s4 =	sadd.s32 s4, s3  }
0xf: {  	s3 =	sadd.s32 $0xA800, s3;
	s1 =	sshrl.u32 s1, $0x3;
	s8 =	sadd.s32 $0x1000, s26  }
0x10: {  	s0 =	sshrl.u32 s0, $0x3;
	s26 =	simm.s32 $0x1;
	s4 =	sadd.s32 $0x800, s4  }
0x11: {  	s1 =	sadd.s32 s7, s1;
	[dreg:$0x3] =	wrdreg s8;
	s0 =	sadd.s32 s0, s7  }
0x12: {  	s7 =	smax.u32 s9, $0x1;
	s8 =	simm.s32 $0x5;
	s9 =	simm.s32 $0x80  }
0x13: {  	[dreg:$0x5] =	wrdreg s4;
	s5 =	sadd.s32 $0x8000, s1;
	s6 =	sadd.s32 $0x9000, s1  }
0x14: {  	[dreg:$0x4] =	wrdreg s0;
	s1 =	simm.s32 $0xD800;
	s0 =	simm.s32 $0x4  }
.LBB2_1:
0x15: {  	s4 =	rddreg [dreg:$0x5]  }
0x16: {  	[tilespmem:s2], [sflag:$0x5] =	stream.linear.gather [hbm4b:s4+s2], $0x2800, $0x38;
	[tilespmem:$0x12800] =	vst v63  }
0x17: {  	_ =	swait.ge [sflag:s8], $0x2800  }
0x18: {  	[sflag:s8] =	ssyncset.done $0x0  }
0x19: {  	[sflag:s8] =	ssyncadd.s32 $0xFFFFD800  }
0x1a: {  	[tilespmem:s10], [sflag:$0x1] =	stream.indirect.gather [hbm4b:s3+s9], $0x20, s2, s9, $0xb8;
	[tilespmem:$0x12800] =	vst v63  }
0x1b: {  	_ = 	snop  }
0x1c: {  	[tilespmem:s11], [sflag:$0x1] =	stream.indirect.gather [hbm4b:s3+s9], $0x20, s9, s9, $0xb8;
	[tilespmem:$0x12800] =	vst v63  }
0x1d: {  	s18 =	simm.s32 $0x100  }
0x1e: {  	[tilespmem:s13], [sflag:$0x1] =	stream.indirect.gather [hbm4b:s3+s9], $0x20, s18, s9, $0xb8;
	[tilespmem:$0x12800] =	vst v63  }
0x1f: {  	s22 =	simm.s32 $0x180  }
0x20: {  	[tilespmem:s15], [sflag:$0x1] =	stream.indirect.gather [hbm4b:s3+s9], $0x20, s22, s9, $0xb8;
	[tilespmem:$0x12800] =	vst v63  }
0x21: {  	s18 =	simm.s32 $0x200  }
0x22: {  	[tilespmem:s17], [sflag:$0x1] =	stream.indirect.gather [hbm4b:s3+s9], $0x20, s18, s9, $0xb8;
	[tilespmem:$0x12800] =	vst v63  }
0x23: {  	s22 =	simm.s32 $0x280  }
0x24: {  	[tilespmem:s19], [sflag:$0x1] =	stream.indirect.gather [hbm4b:s3+s9], $0x20, s22, s9, $0xb8;
	[tilespmem:$0x12800] =	vst v63  }
0x25: {  	s18 =	simm.s32 $0x300  }
0x26: {  	[tilespmem:s21], [sflag:$0x1] =	stream.indirect.gather [hbm4b:s3+s9], $0x20, s18, s9, $0xb8;
	[tilespmem:$0x12800] =	vst v63  }
0x27: {  	s22 =	simm.s32 $0x380  }
0x28: {  	[tilespmem:s23], [sflag:$0x1] =	stream.indirect.gather [hbm4b:s3+s9], $0x20, s22, s9, $0xb8;
	[tilespmem:$0x12800] =	vst v63  }
0x29: {  	s18 =	simm.s32 $0x400  }
0x2a: {  	[tilespmem:s25], [sflag:$0x2] =	stream.indirect.gather [hbm4b:s3+s9], $0x20, s18, s9, $0xb8;
	[tilespmem:$0x12800] =	vst v63  }
0x2b: {  	s22 =	simm.s32 $0x480  }
0x2c: {  	[tilespmem:s28], [sflag:$0x2] =	stream.indirect.gather [hbm4b:s3+s9], $0x20, s22, s9, $0xb8;
	[tilespmem:$0x12800] =	vst v63  }
0x2d: {  	s18 =	simm.s32 $0x500  }
0x2e: {  	[tilespmem:s30], [sflag:$0x2] =	stream.indirect.gather [hbm4b:s3+s9], $0x20, s18, s9, $0xb8;
	[tilespmem:$0x12800] =	vst v63  }
0x2f: {  	s22 =	simm.s32 $0x580  }
0x30: {  	[tilespmem:s1], [sflag:$0x2] =	stream.indirect.gather [hbm4b:s3+s9], $0x20, s22, s9, $0xb8;
	[tilespmem:$0x12800] =	vst v63  }
0x31: {  	s18 =	simm.s32 $0x600  }
0x32: {  	[tilespmem:s12], [sflag:$0x2] =	stream.indirect.gather [hbm4b:s3+s9], $0x20, s18, s9, $0xb8;
	[tilespmem:$0x12800] =	vst v63  }
0x33: {  	s22 =	simm.s32 $0x680  }
0x34: {  	[tilespmem:s16], [sflag:$0x2] =	stream.indirect.gather [hbm4b:s3+s9], $0x20, s22, s9, $0xb8;
	[tilespmem:$0x12800] =	vst v63  }
0x35: {  	s18 =	simm.s32 $0x700  }
0x36: {  	[tilespmem:s20], [sflag:$0x2] =	stream.indirect.gather [hbm4b:s3+s9], $0x20, s18, s9, $0xb8;
	[tilespmem:$0x12800] =	vst v63  }
0x37: {  	s22 =	simm.s32 $0x780  }
0x38: {  	[tilespmem:s24], [sflag:$0x2] =	stream.indirect.gather [hbm4b:s3+s9], $0x20, s22, s9, $0xb8;
	[tilespmem:$0x12800] =	vst v63  }
0x39: {  	_ =	swait.ge [sflag:s26], $0x1000  }
0x3a: {  	[sflag:s26] =	ssyncset.done $0x0  }
0x3b: {  	[sflag:s26] =	ssyncadd.s32 $0xFFFFF000  }
0x3c: {  	_ =	swait.ge [sflag:s26], $0x1000  }
0x3d: {  	[sflag:s26] =	ssyncset.done $0x0  }
0x3e: {  	[sflag:s26] =	ssyncadd.s32 $0xFFFFF000  }
0x3f: {  	_ =	swait.ge [sflag:s26], $0x1000  }
0x40: {  	[sflag:s26] =	ssyncset.done $0x0  }
0x41: {  	[sflag:s26] =	ssyncadd.s32 $0xFFFFF000  }
0x42: {  	_ =	swait.ge [sflag:s26], $0x1000  }
0x43: {  	[sflag:s26] =	ssyncset.done $0x0  }
0x44: {  	[sflag:s26] =	ssyncadd.s32 $0xFFFFF000  }
0x45: {  	_ =	swait.ge [sflag:s26], $0x1000  }
0x46: {  	[sflag:s26] =	ssyncset.done $0x0  }
0x47: {  	[sflag:s26] =	ssyncadd.s32 $0xFFFFF000  }
0x48: {  	_ =	swait.ge [sflag:s26], $0x1000  }
0x49: {  	[sflag:s26] =	ssyncset.done $0x0  }
0x4a: {  	[sflag:s26] =	ssyncadd.s32 $0xFFFFF000  }
0x4b: {  	_ =	swait.ge [sflag:s26], $0x1000  }
0x4c: {  	[sflag:s26] =	ssyncset.done $0x0  }
0x4d: {  	[sflag:s26] =	ssyncadd.s32 $0xFFFFF000  }
0x4e: {  	_ =	swait.ge [sflag:s26], $0x1000  }
0x4f: {  	s18 =	rddreg [dreg:$0x4];
	[sflag:s26] =	ssyncset.done $0x0  }
0x50: {  	[sflag:s26] =	ssyncadd.s32 $0xFFFFF000;
	s18 =	sadd.s32 $0x0, s18  }
0x51: {  	[hbm4b:s18+s2] =	stream.linear.scatter [tilespmem:s10], [sflag:$0x3], $0x8000, $0x38;
	[tilespmem:$0x12800] =	vst v63  }
0x52: {  	_ =	swait.ge [sflag:s29], $0x1000  }
0x53: {  	[sflag:s29] =	ssyncset.done $0x0  }
0x54: {  	[sflag:s29] =	ssyncadd.s32 $0xFFFFF000  }
0x55: {  	_ =	swait.ge [sflag:s29], $0x1000  }
0x56: {  	[sflag:s29] =	ssyncset.done $0x0  }
0x57: {  	[sflag:s29] =	ssyncadd.s32 $0xFFFFF000  }
0x58: {  	_ =	swait.ge [sflag:s29], $0x1000  }
0x59: {  	[sflag:s29] =	ssyncset.done $0x0  }
0x5a: {  	[sflag:s29] =	ssyncadd.s32 $0xFFFFF000  }
0x5b: {  	_ =	swait.ge [sflag:s29], $0x1000  }
0x5c: {  	[sflag:s29] =	ssyncset.done $0x0  }
0x5d: {  	[sflag:s29] =	ssyncadd.s32 $0xFFFFF000  }
0x5e: {  	_ =	swait.ge [sflag:s29], $0x1000  }
0x5f: {  	[sflag:s29] =	ssyncset.done $0x0  }
0x60: {  	[sflag:s29] =	ssyncadd.s32 $0xFFFFF000  }
0x61: {  	_ =	swait.ge [sflag:s29], $0x1000  }
0x62: {  	[sflag:s29] =	ssyncset.done $0x0  }
0x63: {  	[sflag:s29] =	ssyncadd.s32 $0xFFFFF000  }
0x64: {  	_ =	swait.ge [sflag:s29], $0x1000  }
0x65: {  	[sflag:s29] =	ssyncset.done $0x0  }
0x66: {  	[sflag:s29] =	ssyncadd.s32 $0xFFFFF000  }
0x67: {  	_ =	swait.ge [sflag:s29], $0x1000  }
0x68: {  	s4 =	rddreg [dreg:$0x3];
	[sflag:s29] =	ssyncset.done $0x0  }
0x69: {  	[sflag:s29] =	ssyncadd.s32 $0xFFFFF000;
	s18 =	sadd.s32 $0x0, s4  }
0x6a: {  	[hbm4b:s18+s2] =	stream.linear.scatter [tilespmem:s25], [sflag:$0x4], $0x8000, $0x38;
	[tilespmem:$0x12800] =	vst v63  }
0x6b: {  	_ =	swait.ge [sflag:s31], $0x8000  }
0x6c: {  	[sflag:s31] =	ssyncset.done $0x0  }
0x6d: {  	s22 =	simm.s32 $0x800;
	[sflag:s31] =	ssyncadd.s32 $0xFFFF8000  }
0x6e: {  	[tilespmem:s10], [sflag:$0x1] =	stream.indirect.gather [hbm4b:s3+s9], $0x20, s22, s9, $0xb8;
	[tilespmem:$0x12800] =	vst v63  }
0x6f: {  	s4 =	simm.s32 $0x880  }
0x70: {  	[tilespmem:s11], [sflag:$0x1] =	stream.indirect.gather [hbm4b:s3+s9], $0x20, s4, s9, $0xb8;
	[tilespmem:$0x12800] =	vst v63  }
0x71: {  	s22 =	simm.s32 $0x900  }
0x72: {  	[tilespmem:s13], [sflag:$0x1] =	stream.indirect.gather [hbm4b:s3+s9], $0x20, s22, s9, $0xb8;
	[tilespmem:$0x12800] =	vst v63  }
0x73: {  	s4 =	simm.s32 $0x980  }
0x74: {  	[tilespmem:s15], [sflag:$0x1] =	stream.indirect.gather [hbm4b:s3+s9], $0x20, s4, s9, $0xb8;
	[tilespmem:$0x12800] =	vst v63  }
0x75: {  	s22 =	simm.s32 $0xA00  }
0x76: {  	[tilespmem:s17], [sflag:$0x1] =	stream.indirect.gather [hbm4b:s3+s9], $0x20, s22, s9, $0xb8;
	[tilespmem:$0x12800] =	vst v63  }
0x77: {  	s4 =	simm.s32 $0xA80  }
0x78: {  	[tilespmem:s19], [sflag:$0x1] =	stream.indirect.gather [hbm4b:s3+s9], $0x20, s4, s9, $0xb8;
	[tilespmem:$0x12800] =	vst v63  }
0x79: {  	s22 =	simm.s32 $0xB00  }
0x7a: {  	[tilespmem:s21], [sflag:$0x1] =	stream.indirect.gather [hbm4b:s3+s9], $0x20, s22, s9, $0xb8;
	[tilespmem:$0x12800] =	vst v63  }
0x7b: {  	s4 =	simm.s32 $0xB80  }
0x7c: {  	[tilespmem:s23], [sflag:$0x1] =	stream.indirect.gather [hbm4b:s3+s9], $0x20, s4, s9, $0xb8;
	[tilespmem:$0x12800] =	vst v63  }
0x7d: {  	_ =	swait.ge [sflag:s0], $0x8000  }
0x7e: {  	[sflag:s0] =	ssyncset.done $0x0  }
0x7f: {  	s22 =	simm.s32 $0xC00;
	[sflag:s0] =	ssyncadd.s32 $0xFFFF8000  }
0x80: {  	[tilespmem:s25], [sflag:$0x2] =	stream.indirect.gather [hbm4b:s3+s9], $0x20, s22, s9, $0xb8;
	[tilespmem:$0x12800] =	vst v63  }
0x81: {  	s4 =	simm.s32 $0xC80  }
0x82: {  	[tilespmem:s28], [sflag:$0x2] =	stream.indirect.gather [hbm4b:s3+s9], $0x20, s4, s9, $0xb8;
	[tilespmem:$0x12800] =	vst v63  }
0x83: {  	s22 =	simm.s32 $0xD00  }
0x84: {  	[tilespmem:s30], [sflag:$0x2] =	stream.indirect.gather [hbm4b:s3+s9], $0x20, s22, s9, $0xb8;
	[tilespmem:$0x12800] =	vst v63  }
0x85: {  	s4 =	simm.s32 $0xD80  }
0x86: {  	[tilespmem:s1], [sflag:$0x2] =	stream.indirect.gather [hbm4b:s3+s9], $0x20, s4, s9, $0xb8;
	[tilespmem:$0x12800] =	vst v63  }
0x87: {  	s22 =	simm.s32 $0xE00  }
0x88: {  	[tilespmem:s12], [sflag:$0x2] =	stream.indirect.gather [hbm4b:s3+s9], $0x20, s22, s9, $0xb8;
	[tilespmem:$0x12800] =	vst v63  }
0x89: {  	s4 =	simm.s32 $0xE80  }
0x8a: {  	[tilespmem:s16], [sflag:$0x2] =	stream.indirect.gather [hbm4b:s3+s9], $0x20, s4, s9, $0xb8;
	[tilespmem:$0x12800] =	vst v63  }
0x8b: {  	s22 =	simm.s32 $0xF00  }
0x8c: {  	[tilespmem:s20], [sflag:$0x2] =	stream.indirect.gather [hbm4b:s3+s9], $0x20, s22, s9, $0xb8;
	[tilespmem:$0x12800] =	vst v63  }
0x8d: {  	s18 =	simm.s32 $0x2000;
	s22 =	simm.s32 $0xF80  }
.LBB2_2:
0x8e: {  	[tilespmem:s24], [sflag:$0x2] =	stream.indirect.gather [hbm4b:s3+s9], $0x20, s22, s9, $0xb8;
	[tilespmem:$0x12800] =	vst v63  }
0x8f: {  	_ =	swait.ge [sflag:s26], $0x1000  }
0x90: {  	[sflag:s26] =	ssyncset.done $0x0  }
0x91: {  	[sflag:s26] =	ssyncadd.s32 $0xFFFFF000  }
0x92: {  	_ =	swait.ge [sflag:s26], $0x1000  }
0x93: {  	[sflag:s26] =	ssyncset.done $0x0  }
0x94: {  	[sflag:s26] =	ssyncadd.s32 $0xFFFFF000  }
0x95: {  	_ =	swait.ge [sflag:s26], $0x1000  }
0x96: {  	[sflag:s26] =	ssyncset.done $0x0  }
0x97: {  	[sflag:s26] =	ssyncadd.s32 $0xFFFFF000  }
0x98: {  	_ =	swait.ge [sflag:s26], $0x1000  }
0x99: {  	[sflag:s26] =	ssyncset.done $0x0  }
0x9a: {  	[sflag:s26] =	ssyncadd.s32 $0xFFFFF000  }
0x9b: {  	_ =	swait.ge [sflag:s26], $0x1000  }
0x9c: {  	[sflag:s26] =	ssyncset.done $0x0  }
0x9d: {  	[sflag:s26] =	ssyncadd.s32 $0xFFFFF000  }
0x9e: {  	_ =	swait.ge [sflag:s26], $0x1000  }
0x9f: {  	[sflag:s26] =	ssyncset.done $0x0  }
0xa0: {  	[sflag:s26] =	ssyncadd.s32 $0xFFFFF000  }
0xa1: {  	_ =	swait.ge [sflag:s26], $0x1000  }
0xa2: {  	[sflag:s26] =	ssyncset.done $0x0  }
0xa3: {  	[sflag:s26] =	ssyncadd.s32 $0xFFFFF000  }
0xa4: {  	_ =	swait.ge [sflag:s26], $0x1000  }
0xa5: {  	s22 =	smov.u32 s18;
	s4 =	rddreg [dreg:$0x4];
	[sflag:s26] =	ssyncset.done $0x0  }
0xa6: {  	[sflag:s26] =	ssyncadd.s32 $0xFFFFF000;
	s4 =	sadd.s32 s22, s4  }
0xa7: {  	[hbm4b:s4+s2] =	stream.linear.scatter [tilespmem:s10], [sflag:$0x3], $0x8000, $0x38;
	[tilespmem:$0x12800] =	vst v63  }
0xa8: {  	_ =	swait.ge [sflag:s29], $0x1000  }
0xa9: {  	[sflag:s29] =	ssyncset.done $0x0  }
0xaa: {  	[sflag:s29] =	ssyncadd.s32 $0xFFFFF000  }
0xab: {  	_ =	swait.ge [sflag:s29], $0x1000  }
0xac: {  	[sflag:s29] =	ssyncset.done $0x0  }
0xad: {  	[sflag:s29] =	ssyncadd.s32 $0xFFFFF000  }
0xae: {  	_ =	swait.ge [sflag:s29], $0x1000  }
0xaf: {  	[sflag:s29] =	ssyncset.done $0x0  }
0xb0: {  	[sflag:s29] =	ssyncadd.s32 $0xFFFFF000  }
0xb1: {  	_ =	swait.ge [sflag:s29], $0x1000  }
0xb2: {  	[sflag:s29] =	ssyncset.done $0x0  }
0xb3: {  	[sflag:s29] =	ssyncadd.s32 $0xFFFFF000  }
0xb4: {  	_ =	swait.ge [sflag:s29], $0x1000  }
0xb5: {  	[sflag:s29] =	ssyncset.done $0x0  }
0xb6: {  	[sflag:s29] =	ssyncadd.s32 $0xFFFFF000  }
0xb7: {  	_ =	swait.ge [sflag:s29], $0x1000  }
0xb8: {  	[sflag:s29] =	ssyncset.done $0x0  }
0xb9: {  	[sflag:s29] =	ssyncadd.s32 $0xFFFFF000  }
0xba: {  	_ =	swait.ge [sflag:s29], $0x1000  }
0xbb: {  	[sflag:s29] =	ssyncset.done $0x0  }
0xbc: {  	[sflag:s29] =	ssyncadd.s32 $0xFFFFF000  }
0xbd: {  	_ =	swait.ge [sflag:s29], $0x1000  }
0xbe: {  	s4 =	rddreg [dreg:$0x3];
	[sflag:s29] =	ssyncset.done $0x0  }
0xbf: {  	[sflag:s29] =	ssyncadd.s32 $0xFFFFF000;
	s4 =	sadd.s32 s22, s4  }
0xc0: {  	[hbm4b:s4+s2] =	stream.linear.scatter [tilespmem:s25], [sflag:$0x4], $0x8000, $0x38;
	[tilespmem:$0x12800] =	vst v63  }
0xc1: {  	_ =	swait.ge [sflag:s31], $0x8000  }
0xc2: {  	s22 =	sshra.s32 s22, $0x2;
	[sflag:s31] =	ssyncset.done $0x0  }
0xc3: {  	s4 =	sadd.s32 $0x800, s22;
	[sflag:s31] =	ssyncadd.s32 $0xFFFF8000  }
0xc4: {  	[tilespmem:s10], [sflag:$0x1] =	stream.indirect.gather [hbm4b:s3+s9], $0x20, s4, s9, $0xb8;
	[tilespmem:$0x12800] =	vst v63  }
0xc5: {  	s4 =	sadd.s32 $0x880, s22  }
0xc6: {  	[tilespmem:s11], [sflag:$0x1] =	stream.indirect.gather [hbm4b:s3+s9], $0x20, s4, s9, $0xb8;
	[tilespmem:$0x12800] =	vst v63  }
0xc7: {  	s4 =	sadd.s32 $0x900, s22  }
0xc8: {  	[tilespmem:s13], [sflag:$0x1] =	stream.indirect.gather [hbm4b:s3+s9], $0x20, s4, s9, $0xb8;
	[tilespmem:$0x12800] =	vst v63  }
0xc9: {  	s4 =	sadd.s32 $0x980, s22  }
0xca: {  	[tilespmem:s15], [sflag:$0x1] =	stream.indirect.gather [hbm4b:s3+s9], $0x20, s4, s9, $0xb8;
	[tilespmem:$0x12800] =	vst v63  }
0xcb: {  	s4 =	sadd.s32 $0xA00, s22  }
0xcc: {  	[tilespmem:s17], [sflag:$0x1] =	stream.indirect.gather [hbm4b:s3+s9], $0x20, s4, s9, $0xb8;
	[tilespmem:$0x12800] =	vst v63  }
0xcd: {  	s4 =	sadd.s32 $0xA80, s22  }
0xce: {  	[tilespmem:s19], [sflag:$0x1] =	stream.indirect.gather [hbm4b:s3+s9], $0x20, s4, s9, $0xb8;
	[tilespmem:$0x12800] =	vst v63  }
0xcf: {  	s4 =	sadd.s32 $0xB00, s22  }
0xd0: {  	[tilespmem:s21], [sflag:$0x1] =	stream.indirect.gather [hbm4b:s3+s9], $0x20, s4, s9, $0xb8;
	[tilespmem:$0x12800] =	vst v63  }
0xd1: {  	s4 =	sadd.s32 $0xB80, s22  }
0xd2: {  	[tilespmem:s23], [sflag:$0x1] =	stream.indirect.gather [hbm4b:s3+s9], $0x20, s4, s9, $0xb8;
	[tilespmem:$0x12800] =	vst v63  }
0xd3: {  	_ =	swait.ge [sflag:s0], $0x8000  }
0xd4: {  	[sflag:s0] =	ssyncset.done $0x0  }
0xd5: {  	s4 =	sadd.s32 $0xC00, s22;
	[sflag:s0] =	ssyncadd.s32 $0xFFFF8000  }
0xd6: {  	[tilespmem:s25], [sflag:$0x2] =	stream.indirect.gather [hbm4b:s3+s9], $0x20, s4, s9, $0xb8;
	[tilespmem:$0x12800] =	vst v63  }
0xd7: {  	s4 =	sadd.s32 $0xC80, s22  }
0xd8: {  	[tilespmem:s28], [sflag:$0x2] =	stream.indirect.gather [hbm4b:s3+s9], $0x20, s4, s9, $0xb8;
	[tilespmem:$0x12800] =	vst v63  }
0xd9: {  	s4 =	sadd.s32 $0xD00, s22  }
0xda: {  	[tilespmem:s30], [sflag:$0x2] =	stream.indirect.gather [hbm4b:s3+s9], $0x20, s4, s9, $0xb8;
	[tilespmem:$0x12800] =	vst v63  }
0xdb: {  	s4 =	sadd.s32 $0xD80, s22  }
0xdc: {  	[tilespmem:s1], [sflag:$0x2] =	stream.indirect.gather [hbm4b:s3+s9], $0x20, s4, s9, $0xb8;
	[tilespmem:$0x12800] =	vst v63  }
0xdd: {  	p0 =	sne.s32 s18, $0x6000;
	s4 =	sadd.s32 $0xE00, s22  }
0xde: {  	[tilespmem:s12], [sflag:$0x2] =	stream.indirect.gather [hbm4b:s3+s9], $0x20, s4, s9, $0xb8;
	[tilespmem:$0x12800] =	vst v63  }
.Ltmp0:
0xdf: {  	_ = 	snop;
	(pc) =	sbr.rel @p0 .LBB2_2-.Ltmp0, $4  }
0xe0: {  	s4 =	sadd.s32 $0xE80, s22  }
0xe1: {  	[tilespmem:s16], [sflag:$0x2] =	stream.indirect.gather [hbm4b:s3+s9], $0x20, s4, s9, $0xb8;
	[tilespmem:$0x12800] =	vst v63  }
0xe2: {  	s18 =	sadd.s32 $0x2000, s18;
	s4 =	sadd.s32 $0xF00, s22;
	s22 =	sadd.s32 $0xF80, s22  }
0xe3: {  	[tilespmem:s20], [sflag:$0x2] =	stream.indirect.gather [hbm4b:s3+s9], $0x20, s4, s9, $0xb8;
	[tilespmem:$0x12800] =	vst v63  }
0xe4: {  	[tilespmem:s24], [sflag:$0x2] =	stream.indirect.gather [hbm4b:s3+s9], $0x20, s22, s9, $0xb8;
	[tilespmem:$0x12800] =	vst v63  }
0xe5: {  	_ =	swait.ge [sflag:s26], $0x1000  }
0xe6: {  	[sflag:s26] =	ssyncset.done $0x0  }
0xe7: {  	[sflag:s26] =	ssyncadd.s32 $0xFFFFF000  }
0xe8: {  	_ =	swait.ge [sflag:s26], $0x1000  }
0xe9: {  	[sflag:s26] =	ssyncset.done $0x0  }
0xea: {  	[sflag:s26] =	ssyncadd.s32 $0xFFFFF000  }
0xeb: {  	_ =	swait.ge [sflag:s26], $0x1000  }
0xec: {  	[sflag:s26] =	ssyncset.done $0x0  }
0xed: {  	[sflag:s26] =	ssyncadd.s32 $0xFFFFF000  }
0xee: {  	_ =	swait.ge [sflag:s26], $0x1000  }
0xef: {  	[sflag:s26] =	ssyncset.done $0x0  }
0xf0: {  	[sflag:s26] =	ssyncadd.s32 $0xFFFFF000  }
0xf1: {  	_ =	swait.ge [sflag:s26], $0x1000  }
0xf2: {  	[sflag:s26] =	ssyncset.done $0x0  }
0xf3: {  	[sflag:s26] =	ssyncadd.s32 $0xFFFFF000  }
0xf4: {  	_ =	swait.ge [sflag:s26], $0x1000  }
0xf5: {  	[sflag:s26] =	ssyncset.done $0x0  }
0xf6: {  	[sflag:s26] =	ssyncadd.s32 $0xFFFFF000  }
0xf7: {  	_ =	swait.ge [sflag:s26], $0x1000  }
0xf8: {  	[sflag:s26] =	ssyncset.done $0x0  }
0xf9: {  	[sflag:s26] =	ssyncadd.s32 $0xFFFFF000  }
0xfa: {  	_ =	swait.ge [sflag:s26], $0x1000  }
0xfb: {  	[sflag:s26] =	ssyncset.done $0x0  }
0xfc: {  	[sflag:s26] =	ssyncadd.s32 $0xFFFFF000  }
0xfd: {  	[hbm4b:s5+s2] =	stream.linear.scatter [tilespmem:s10], [sflag:$0x3], $0x8000, $0x38;
	[tilespmem:$0x12800] =	vst v63  }
0xfe: {  	_ =	swait.ge [sflag:s29], $0x1000  }
0xff: {  	[sflag:s29] =	ssyncset.done $0x0  }
0x100: {  	[sflag:s29] =	ssyncadd.s32 $0xFFFFF000  }
0x101: {  	_ =	swait.ge [sflag:s29], $0x1000  }
0x102: {  	[sflag:s29] =	ssyncset.done $0x0  }
0x103: {  	[sflag:s29] =	ssyncadd.s32 $0xFFFFF000  }
0x104: {  	_ =	swait.ge [sflag:s29], $0x1000  }
0x105: {  	[sflag:s29] =	ssyncset.done $0x0  }
0x106: {  	[sflag:s29] =	ssyncadd.s32 $0xFFFFF000  }
0x107: {  	_ =	swait.ge [sflag:s29], $0x1000  }
0x108: {  	[sflag:s29] =	ssyncset.done $0x0  }
0x109: {  	[sflag:s29] =	ssyncadd.s32 $0xFFFFF000  }
0x10a: {  	_ =	swait.ge [sflag:s29], $0x1000  }
0x10b: {  	[sflag:s29] =	ssyncset.done $0x0  }
0x10c: {  	[sflag:s29] =	ssyncadd.s32 $0xFFFFF000  }
0x10d: {  	_ =	swait.ge [sflag:s29], $0x1000  }
0x10e: {  	[sflag:s29] =	ssyncset.done $0x0  }
0x10f: {  	[sflag:s29] =	ssyncadd.s32 $0xFFFFF000  }
0x110: {  	_ =	swait.ge [sflag:s29], $0x1000  }
0x111: {  	[sflag:s29] =	ssyncset.done $0x0  }
0x112: {  	[sflag:s29] =	ssyncadd.s32 $0xFFFFF000  }
0x113: {  	_ =	swait.ge [sflag:s29], $0x1000  }
0x114: {  	[sflag:s29] =	ssyncset.done $0x0  }
0x115: {  	s14 =	sadd.s32 $0x1, s14;
	[sflag:s29] =	ssyncadd.s32 $0xFFFFF000  }
0x116: {  	[hbm4b:s6+s2] =	stream.linear.scatter [tilespmem:s25], [sflag:$0x4], $0x8000, $0x38;
	[tilespmem:$0x12800] =	vst v63  }
0x117: {  	p0 =	sne.s32 s14, s7;
	_ =	swait.ge [sflag:s31], $0x8000  }
.Ltmp1:
0x118: {  	[sflag:s31] =	ssyncset.done $0x0;
	(pc) =	sbr.rel @p0 .LBB2_1-.Ltmp1, $4  }
0x119: {  	[sflag:s31] =	ssyncadd.s32 $0xFFFF8000  }
0x11a: {  	_ =	swait.ge [sflag:s0], $0x8000  }
0x11b: {  	[sflag:s0] =	ssyncset.done $0x0  }
0x11c: {  	[sflag:s0] =	ssyncadd.s32 $0xFFFF8000  }
0x11d: {  	_ =	sfence.sel $0x180000  }
0x11e: {  	[bflag:$0x0] =	sbarrier.arrive $0xFFFF  }
0x11f: {  	_ =	strace $0x90000047  }
0x120: {  	s0 =	stileid.u32;
	[bflag:$0x2] =	sbarrier.arrive $0xFFFF  }
0x121: {  	p0 =	sne.s32 s0, $0x0;
	s0 =	rddreg [dreg:$0x2]  }
0x122: {  	s0 =	sadd.s32 @!p0 $0x100000, s0  }
0x123: {  	[sflag:s0] =	ssyncadd.tile.s32 @!p0 $0x1;
	_ =	shalt  }
.Lfunc_end2:
_tile_overlayer_lowered:
.L_overlay_start_2:
0x124: {  	(tag) =	ssettag $0x2  }
0x125: {  	s0 =	rddreg [dreg:$0x0];
	s2 =	stileid.u32  }
0x126: {  	s1 =	rddreg [dreg:$0x1];
	p0 =	sne.s32 s2, $0x0  }
0x127: {  	s3 =	rddreg [dreg:$0x2];
	[bflag:$0x3] =	sbarrier.arrive $0xFFFF;
	s2 =	simm.s32 @!p0 $0x1C05  }
0x128: {  	[timem:s3], [sflag:s2] =	dma.local @!p0 [hbm:s0], s1  }
0x129: {  	s0 =	simm.s32 @!p0 $0x5  }
0x12a: {  	_ =	swait.ge @!p0 [sflag:s0], s1  }
0x12b: {  	s1 =	ssub.s32 @!p0 $0x0, s1;
	[sflag:s0] =	ssyncset.done @!p0 $0x0  }
0x12c: {  	[sflag:s0] =	ssyncadd.s32 @!p0 s1  }
0x12d: {  	[bflag:$0x3] =	sbarrier.arrive $0xFFFF  }
0x12e: {  	_ =	shalt  }

// kernel: sparse-core-data-format-call.cloned.1.call-start
scs
called_computation_lowered:
.L_overlay_start_0:
0x0: {  	s2 =	sld [smem:$0x3FD9]  }
0x1: {  	s3 =	sld [smem:$0x3FFE];
	_ =	sdelay $0x1  }
0x2: {  	s1 =	srdreg.scid  }
0x3: {  	s0 =	sand.u32 $0x1, s1  }
0x4: {  	s18 =	sshll.u32 s0, $0xA;
	s2 =	sadd.s32 s3, s2  }
0x5: {  	s2 =	sadd.s32 s2, s18  }
0x6: {  	[smem:$0x3FC6] =	sst s2  }
0x7: {  	_ = 	snop  }
0x8: {  	s2 =	sld [smem:$0x3FD0];
	(tm) =	ssettm $0x1  }
0x9: {  	s19 =	sld [smem:$0x3FFB];
	_ =	sdelay $0x3  }
0xa: {  	_ =	strace s19  }
0xb: {  	s3 =	sld [smem:$0x3FFC];
	_ =	sdelay $0x3  }
0xc: {  	_ =	strace s3  }
0xd: {  	s3 =	sld [smem:$0x3FFD];
	_ =	sdelay $0x3  }
0xe: {  	_ =	strace s3  }
0xf: {  	_ =	strace $0x8FFFFFFF  }
0x10: {  	s20 =	sld [smem:$0x3FDB];
	_ =	sdelay $0x1  }
0x11: {  	s4 =	simm.s32 $_scs_section_size  }
0x12: {  	s5 =	simm.s32 $_size__tile_overlayer_lowered;
	s6 =	simm.s32 $_tile_overlayer_lowered  }
0x13: {  	s23 =	simm.s32 $0x1BFF;
	s22 =	sshll.u32 s6, $0x1;
	s3 =	sadd.s32 s4, s20  }
0x14: {  	s7 =	simm.s32 $0x0;
	s21 =	sshll.u32 s5, $0x1;
	s5 =	sadd.s32 s22, s3  }
0x15: {  	[timem:s7], [sflag:s23] =	dma.local [hbm:s5], s21  }
0x16: {  	_ =	swait.ge [sflag:s23], s21  }
0x17: {  	s4 =	ssub.s32 $0x0, s21;
	[sflag:s23] =	ssyncset.done $0x0  }
0x18: {  	[sflag:s23] =	ssyncadd.s32 s4;
	_ =	sdelay $0x1  }
0x19: {  	s24 =	simm.s32 $0x1B8B  }
0x1a: {  	_ =	swait.ge [sflag:s24], $0x1  }
0x1b: {  	[sflag:s24] =	ssyncset.done $0x0  }
0x1c: {  	s26 =	simm.s32 $0x1B8E;
	s25 =	sld [smem:$0x3FFE];
	[sflag:s24] =	ssyncadd.s32 $0xFFFFFFFF  }
0x1d: {  	s27 =	simm.s32 $execute0_lowered;
	[smem:$0x3FD2] =	sst s26  }
0x1e: {  	s5 =	sshll.u32 s27, $0x1;
	_ =	strace $0x80000049;
	[dreg:$0x1] =	wrdreg $0xFFFFFFFF  }
0x1f: {  	s28 =	simm.s32 $_size_execute0_lowered;
	s3 =	sadd.s32 s3, s5;
	[dreg:$0x0] =	wrdreg $0x0  }
0x20: {  	s5 =	sshll.u32 s28, $0x1;
	[dreg:$0x2] =	wrdreg s3  }
0x21: {  	[dreg:$0x3] =	wrdreg s5  }
0x22: {  	[dreg:$0x4] =	wrdreg $0xC0  }
0x23: {  	_ =	task [dreg:s7], $0x5FFFF  }
0x24: {  	[dreg:$0x1] =	wrdreg $0xFFFFFFFF  }
0x25: {  	[dreg:$0x0] =	wrdreg $0x60  }
0x26: {  	[dreg:$0x2] =	wrdreg s25  }
0x27: {  	[dreg:$0x3] =	wrdreg s2  }
0x28: {  	[dreg:$0x4] =	wrdreg $0x9  }
0x29: {  	_ =	task.clear_ibuf [dreg:s7], $0x5FFFF;
	_ =	strace $0x90000049  }
0x2a: {  	s29 =	simm.s32 $0x9;
	_ =	strace $0x8000004B  }
0x2b: {  	_ =	swait.ge [sflag:s29], $0x1  }
0x2c: {  	[sflag:s29] =	ssyncadd.s32 $0xFFFFFFFF  }
0x2d: {  	_ =	strace $0x9000004B  }
0x2e: {  	_ =	sfence  }
0x2f: {  	s30 =	sld [smem:$0x0];
	_ =	sdelay $0x2  }
0x30: {  	s31 =	sshll.u32 s1, $0xD;
	s1 =	sshrl.u32 s1, $0x2  }
0x31: {  	s3 =	sand.u32 $0x4000, s31;
	s1 =	sadd.s32 s1, s30  }
0x32: {  	s0 =	sor.u32 s3, s0;
	s1 =	sshll.u32 s1, $0x11  }
0x33: {  	s0 =	sor.u32 s1, s0  }
0x34: {  	s0 =	sadd.s32 $0x8F2B, s0  }
0x35: {  	[sflag:s0] =	ssyncadd.remote.s32 $0x1  }
0x36: {  	_ =	sfence.sel $0xFFFF  }
0x37: {  	[dreg:$0x0] =	wrdreg $0xFFFFFFFF;
	(pc) =	sbr.abs _section_cstart, $3  }
0x38: {  	[dreg:$0x1] =	wrdreg $0xFFFFFFFF  }
0x39: {  	_ =	task.clear_ibuf [dreg:s7], $0x2FFFF;
	_ =	strace $0x9FFFFFFF  }
0x3a: {  	(tm) =	ssettm $0x7FFFFFFF  }
0x3b: {  	_ =	shalt  }
tec
execute0_lowered:
.L_overlay_start_1:
0x0: {  	(tag) =	ssettag $0x1  }
0x1: {  	s0 =	srdreg.scid  }
0x2: {  	s1 =	sshll.u32 s0, $0x4  }
0x3: {  	s0 =	stileid.u32;
	s1 =	sand.u32 $0x10, s1  }
0x4: {  	s1 =	sor.u32 s0, s1  }
0x5: {  	s6 =	rddreg [dreg:$0x0];
	s4 =	simm.s32 $0x1;
	s2 =	sshll.u32 s1, $0x7  }
0x6: {  	s7 =	simm.s32 $0x2;
	s12 =	simm.s32 $0x0;
	s1 =	ssub.s32 $0x4000, s2  }
0x7: {  	s8 =	simm.s32 $0x20000;
	s13 =	simm.s32 $0x0;
	s3 =	sand.u32 $0xF80, s1  }
0x8: {  	s9 =	simm.s32 $0x0;
	s5 =	sshrl.u32 s1, $0xC;
	p0 =	sne.s32 s3, $0x0  }
.Ltmp0:
0x9: {  	s1 =	rddreg [dreg:$0x2];
	s4 =	simm.s32 @!p0 $0x0;
	(pc) =	sbr.rel .LBB1_1-.Ltmp0, $4  }
0xa: {  	s11 =	simm.s32 $0x0;
	s3 =	rddreg [dreg:$0x1];
	s5 =	sadd.s32 s4, s5  }
0xb: {  	_ =	strace $0x8000004A;
	s4 =	simm.s32 $0x1;
	s5 =	smul.u32 $0x14, s5  }
0xc: {  	s6 =	sadd.s32 $0x800, s6;
	s10 =	smov.u32 s2;
	[sflag:s4] =	ssyncpa.u1 $0x0  }
0xd: {  	p0 =	por $0x0, $0x0;
	[sflag:s7] =	ssyncpa.u1 $0x0;
	s7 =	sor.u32 $0x1, s5  }
.LBB1_4:
0xe: {  	s16 =	sshll.u32 s13, $0x3;
	s17 =	sand.u32 $0x78, s13  }
0xf: {  	s30 =	sand.u32 $0xF800, s13;
	s12 =	sshll.u32 s12, $0x10;
	s16 =	sand.u32 $0x3C00, s16  }
0x10: {  	s31 =	sand.u32 $0x7, s13;
	s16 =	sor.u32 s17, s16;
	s17 =	sadd.s32 s3, s30  }
0x11: {  	s13 =	sshll.u32 s31, $0x12;
	s16 =	sshrl.u32 s16, $0x3;
	s12 =	sadd.s32 s12, s17  }
0x12: {  	[tilespmem:s15+$0x0 ss:$0x81] =	vst.msk $0xffff, v0;
	s13 =	sor.u32 $0x400, s13;
	s12 =	sadd.s32 s16, s12  }
0x13: {  	[hbm4b:s12+s13] =	stream.strided.scatter [tilespmem:s14], [sflag:$0x2], $0x1000, s8, s13, $0x20;
	[tilespmem:$0x4040] =	vst v63  }
.LBB1_5:
0x14: {  	s14 =	sadd.s32 $0x1, s9  }
0x15: {  	s12 =	sadd.s32 $0x1000, s10;
	s16 =	smov.u32 s10;
	p2 =	sgt.s32 s14, $0x13  }
0x16: {  	s16 =	smov.u32 @p2 s12  }
0x17: {  	s14 =	simm.s32 @p2 $0x0;
	p2 =	sgt.s32 s16, $0x3FFF  }
0x18: {  	s16 =	smov.u32 @p2 s2;
	p2 =	sne.s32 s11, s7  }
.Ltmp1:
0x19: {  	p1 =	slt.u32 s11, $0x2;
	(pc) =	sbr.rel @!p2 .LBB1_6-.Ltmp1, $4  }
0x1a: {  	s15 =	simm.s32 @!p1 $0x2  }
0x1b: {  	s13 =	smov.u32 s10;
	p0 =	por !p0, !p0;
	_ =	swait.ge @!p1 [sflag:s15], $0x1000  }
0x1c: {  	s12 =	smov.u32 s9;
	[sflag:s15] =	ssyncset.done @!p1 $0x0;
	s9 =	smov.u32 s14  }
0x1d: {  	s11 =	sadd.s32 $0x1, s11;
	[sflag:s15] =	ssyncadd.s32 @!p1 $0xFFFFF000;
	s10 =	smov.u32 s16  }
.LBB1_1:
0x1e: {  	p1 =	sge.u32 s11, s5  }
0x1f: {  	s14 =	sand.u32 @!p1 $0x1FFFFFF, s9  }
0x20: {  	s15 =	smulhi.u32 @!p1 $0xAAAAAAB, s14;
	_ =	sdelay $0x1  }
0x21: {  	s15 =	smul.u32 @!p1 $0x18, s15  }
0x22: {  	s16 =	sxor.u32 @!p1 $0xFFFFFFFF, s11;
	s17 =	smul.u32 @!p1 $0x180, s10  }
0x23: {  	s31 =	sadd.s32 $0xFFFFFFFF, s11;
	s16 =	sshll.u32 @!p1 s16, $0xC;
	s14 =	ssub.s32 @!p1 s14, s15  }
0x24: {  	s15 =	sand.u32 @!p1 $0x1000, s16;
	s16 =	sadd.s32 @!p1 s6, s17;
	s14 =	sshll.u32 @!p1 s14, $0x4  }
0x25: {  	s17 =	simm.s32 @!p1 $0xC00;
	s14 =	sadd.s32 @!p1 s14, s16;
	s16 =	simm.s32 @!p1 $0x20  }
0x26: {  	[tilespmem:s15], [sflag:$0x1] =	stream.strided.gather @!p1 [hbm4b:s14+s16], $0x1000, s17, s16, $0x38;
	[tilespmem:$0x4040] =	vst v63  }
0x27: {  	p1 =	sge.u32 s31, s5  }
.Ltmp2:
0x28: {  	_ = 	snop;
	(pc) =	sbr.rel @p1 .LBB1_5-.Ltmp2, $1  }
0x29: {  	_ =	sdelay $0x3  }
0x2a: {  	s14 =	simm.s32 $0x1  }
0x2b: {  	_ =	swait.ge [sflag:s4], $0x1000;
	s14 =	simm.s32 @!p0 $0x0  }
0x2c: {  	[sflag:s4] =	ssyncset.done $0x0;
	s15 =	sshll.u32 s14, $0xC  }
0x2d: {  	[sflag:s4] =	ssyncadd.s32 $0xFFFFF000;
	s18 =	sor.u32 $0x10, s15  }
0x2e: {  	s14 =	smul.u32 $0x4080, s14;
	v1 =	vld [tilespmem:s18+$0x0]  }
0x2f: {  	s30 =	sand.u32 $0x1, s11;
	v0 =	vld [tilespmem:s18+$0xFFFFFFF0]  }
0x30: {  	s15 =	smul.u32 $0x4080, s30;
	s14 =	sshrl.u32 s14, $0x2  }
0x31: {  	s16 =	sor.u32 $0x2000, s14  }
0x32: {  	s31 =	sshrl.u32 s15, $0x2;
	s15 =	sadd.s32 $0x0, s16  }
0x33: {  	s17 =	simm.s32 $0x4;
	s18 =	sadd.s32 $0x20, s18;
	s14 =	sor.u32 $0x2000, s31;
	[tilespmem:s15+$0x810 ss:$0x81] =	vst.msk $0xffff, v1  }
.LBB1_3:
0x34: {  	v1 =	vld [tilespmem:s18+$0x0];
	p1 =	sne.s32 s17, $0x1FC;
	[tilespmem:s15+$0x0 ss:$0x81] =	vst.msk $0xffff, v0;
	s15 =	smov.u32 s17;
	s17 =	sadd.s32 $0x4, s17  }
.Ltmp3:
0x35: {  	v0 =	vld [tilespmem:s18+$0xFFFFFFF0];
	(pc) =	sbr.rel @p1 .LBB1_3-.Ltmp3, $4  }
0x36: {  	_ = 	snop  }
0x37: {  	s15 =	sshra.s32 s15, $0x2  }
0x38: {  	s15 =	sadd.s32 s15, s16  }
0x39: {  	s18 =	sadd.s32 $0x20, s18;
	[tilespmem:s15+$0x810 ss:$0x81] =	vst.msk $0xffff, v1  }
.Ltmp4:
0x3a: {  	_ = 	snop;
	(pc) =	sbr.rel .LBB1_4-.Ltmp4, $1  }
0x3b: {  	_ =	sdelay $0x3  }
.LBB1_6:
0x3c: {  	_ =	sfence.sel $0x180000  }
0x3d: {  	s2 =	simm.s32 $0x1;
	[bflag:$0x0] =	sbarrier.arrive $0xFFFF  }
0x3e: {  	s31 =	simm.s32 $0x2;
	[sflag:s2] =	ssyncpa.u1 $0x1  }
0x3f: {  	[sflag:s31] =	ssyncpa.u1 $0x1  }
0x40: {  	p0 =	sne.s32 s0, $0x0;
	_ =	strace $0x9000004A  }
0x41: {  	s0 =	sadd.s32 @!p0 $0x100000, s1;
	[bflag:$0x2] =	sbarrier.arrive $0xFFFF  }
0x42: {  	[sflag:s0] =	ssyncadd.tile.s32 @!p0 $0x1;
	_ =	shalt  }
.Lfunc_end1:
_tile_overlayer_lowered:
.L_overlay_start_2:
0x43: {  	(tag) =	ssettag $0x2  }
0x44: {  	s0 =	rddreg [dreg:$0x0];
	s2 =	stileid.u32  }
0x45: {  	s1 =	rddreg [dreg:$0x1];
	p0 =	sne.s32 s2, $0x0  }
0x46: {  	s3 =	rddreg [dreg:$0x2];
	[bflag:$0x3] =	sbarrier.arrive $0xFFFF;
	s2 =	simm.s32 @!p0 $0x1C01  }
0x47: {  	[timem:s3], [sflag:s2] =	dma.local @!p0 [hbm:s0], s1  }
0x48: {  	s0 =	simm.s32 @!p0 $0x1  }
0x49: {  	_ =	swait.ge @!p0 [sflag:s0], s1  }
0x4a: {  	s1 =	ssub.s32 @!p0 $0x0, s1;
	[sflag:s0] =	ssyncset.done @!p0 $0x0  }
0x4b: {  	[sflag:s0] =	ssyncadd.s32 @!p0 s1  }
0x4c: {  	[bflag:$0x3] =	sbarrier.arrive $0xFFFF  }
0x4d: {  	_ =	shalt  }

</sc_bundles>
